<compile_context>
chip_gen: v7x
topology: tpu7x:2x2x1
jax: 0.10.2.dev20260603
libtpu: 0.0.44.dev20260713+nightly
codegen_flags: <defaults>
</compile_context>

<pallas_src>
import functools

import jax
import jax.numpy as jnp
from jax import lax
from jax.experimental import pallas as pl
from jax.experimental.pallas import tpu as pltpu
from jax.experimental.pallas import tpu_sc as plsc

B = 16384
D_ARTIST, D_ALBUM, D_GENRE = 64, 32, 16
H1, H2 = 256, 128

NC, NS = 2, 16
NW = NC * NS
BPW = B // NW
WIN = 128
NWINDOW = BPW // WIN

_sc_mesh = plsc.VectorSubcoreMesh(core_axis_name="c", subcore_axis_name="s")


@functools.partial(
    pl.kernel,
    out_type=[
        jax.ShapeDtypeStruct((B, 128), jnp.float32),
        jax.ShapeDtypeStruct((B, 128), jnp.float32),
    ],
    mesh=_sc_mesh,
    scratch_types=[
        pltpu.VMEM((1, WIN), jnp.int32),
        pltpu.VMEM((1, WIN), jnp.int32),
        pltpu.VMEM((WIN, 128), jnp.float32),
        pltpu.VMEM((WIN, 128), jnp.float32),
        pltpu.SemaphoreType.DMA,
        pltpu.SemaphoreType.DMA,
    ],
)
def _sc_gather_bg(bidx_h, gidx_h, bp_h, gp_h, ob_h, og_h,
                  ixb, ixg, rb, rg, semb, semg):
    wid = lax.axis_index("s") * NC + lax.axis_index("c")

    for j in range(NWINDOW):
        r = wid * NWINDOW + j
        pltpu.sync_copy(bidx_h.at[pl.ds(r, 1)], ixb)
        pltpu.sync_copy(gidx_h.at[pl.ds(r, 1)], ixg)
        cb = pltpu.async_copy(bp_h.at[ixb.at[0]], rb, semb)
        cg = pltpu.async_copy(gp_h.at[ixg.at[0]], rg, semg)
        cb.wait()
        cg.wait()
        base = wid * BPW + j * WIN
        pltpu.sync_copy(rb, ob_h.at[pl.ds(base, WIN)])
        pltpu.sync_copy(rg, og_h.at[pl.ds(base, WIN)])


@functools.partial(
    pl.kernel,
    out_type=jax.ShapeDtypeStruct((B, 128), jnp.float32),
    mesh=_sc_mesh,
    scratch_types=[
        pltpu.VMEM((1, WIN), jnp.int32),
        pltpu.VMEM((1, WIN), jnp.int32),
        pltpu.VMEM((WIN, 128), jnp.float32),
        pltpu.VMEM((WIN, 128), jnp.float32),
        pltpu.SemaphoreType.DMA,
        pltpu.SemaphoreType.DMA,
    ],
)
def _sc_gather_a(aidx_h, ap_h, oa_h, ixa0, ixa1, ra0, ra1, sem0, sem1):
    wid = lax.axis_index("s") * NC + lax.axis_index("c")
    ix = (ixa0, ixa1)
    bufs = (ra0, ra1)
    sems = (sem0, sem1)
    copies = [None, None]
    for j in range(NWINDOW):
        k = j % 2
        pltpu.sync_copy(aidx_h.at[pl.ds(wid * NWINDOW + j, 1)], ix[k])
        copies[k] = pltpu.async_copy(ap_h.at[ix[k].at[0]], bufs[k], sems[k])
        if j > 0:
            copies[1 - k].wait()
            pltpu.sync_copy(bufs[1 - k],
                            oa_h.at[pl.ds(wid * BPW + (j - 1) * WIN, WIN)])
    kl = (NWINDOW - 1) % 2
    copies[kl].wait()
    pltpu.sync_copy(bufs[kl],
                    oa_h.at[pl.ds(wid * BPW + (NWINDOW - 1) * WIN, WIN)])


CB = 8192
S_ARTIST = 507904
S_ALBUM = 253952


def _repackT_body(*refs):
    o_ref = refs[-1]
    v = jnp.concatenate([r[...] for r in refs[:-1]], axis=0)
    o_ref[...] = v.T


def _repackT(table_t, d, split, cb):
    v = table_t.shape[1]
    k = 128 // d
    nblk = split // cb
    last = (v + cb - 1) // cb - 1
    specs = [
        pl.BlockSpec(
            (d, cb),
            functools.partial(
                lambda j, i: (0, jnp.minimum(i + j * nblk, last)), j))
        for j in range(k)
    ]
    return pl.pallas_call(
        _repackT_body,
        grid=(nblk,),
        in_specs=specs,
        out_specs=pl.BlockSpec((cb, 128), lambda i: (i, 0)),
        out_shape=jax.ShapeDtypeStruct((split, 128), jnp.float32),
        compiler_params=pltpu.CompilerParams(
            dimension_semantics=("parallel",)),
    )(*([table_t] * k))


BLK = 2048


def _masked(packed, sel, d):
    grp = lax.broadcasted_iota(jnp.int32, (1, 128), 1) // d
    return jnp.where(sel == grp, packed, 0.0)


def _mlp_body(num_ref, ea_ref, eb_ref, eg_ref, asel_ref, bsel_ref, gsel_ref,
              w1n_ref, w1a_ref, w1b_ref, w1g_ref, b1_ref, w2_ref, b2_ref,
              o_ref):
    ea = _masked(ea_ref[...], asel_ref[...], D_ARTIST)
    eb = _masked(eb_ref[...], bsel_ref[...], D_ALBUM)
    eg = _masked(eg_ref[...], gsel_ref[...], D_GENRE)
    h = jnp.dot(num_ref[...], w1n_ref[...], preferred_element_type=jnp.float32)
    h += jnp.dot(ea, w1a_ref[...], preferred_element_type=jnp.float32)
    h += jnp.dot(eb, w1b_ref[...], preferred_element_type=jnp.float32)
    h += jnp.dot(eg, w1g_ref[...], preferred_element_type=jnp.float32)
    h = jnp.maximum(h + b1_ref[...], 0.0)
    o = jnp.dot(h, w2_ref[...], preferred_element_type=jnp.float32)
    o_ref[...] = jnp.maximum(o + b2_ref[...], 0.0)


def _mlp(num, ea, eb, eg, aid, bid, gid, w1n, w1a, w1b, w1g, b1, w2, b2):
    grid = (B // BLK,)
    full = lambda shape: pl.BlockSpec(shape, lambda i: (0, 0))
    blk2 = lambda shape: pl.BlockSpec(shape, lambda i: (i, 0))
    return pl.pallas_call(
        _mlp_body,
        grid=grid,
        in_specs=[
            blk2((BLK, 9)),
            blk2((BLK, 128)),
            blk2((BLK, 128)),
            blk2((BLK, 128)),
            blk2((BLK, 1)),
            blk2((BLK, 1)),
            blk2((BLK, 1)),
            full((9, H1)),
            full((128, H1)),
            full((128, H1)),
            full((128, H1)),
            full((1, H1)),
            full((H1, H2)),
            full((1, H2)),
        ],
        out_specs=blk2((BLK, H2)),
        out_shape=jax.ShapeDtypeStruct((B, H2), jnp.float32),
    )(num, ea, eb, eg, aid, bid, gid, w1n, w1a, w1b, w1g, b1, w2, b2)


def kernel(danceability, energy, loudness, speechiness, acousticness,
           instrumentalness, liveness, valence, tempo,
           artist_id, album_id, genre_id,
           E_artist, E_album, E_genre, W1, b1, W2, b2):
    asel = (artist_id >= S_ARTIST).astype(jnp.int32)
    bsel = album_id // S_ALBUM
    aidx = (artist_id - asel * S_ARTIST).reshape(NW * NWINDOW, WIN)
    bidx = (album_id - bsel * S_ALBUM).reshape(NW * NWINDOW, WIN)
    gidx = (genre_id >> 3).reshape(NW * NWINDOW, WIN)
    gp = E_genre.reshape(125, 128)
    bp = _repackT(E_album.T, D_ALBUM, S_ALBUM, 8192)
    eb, eg = _sc_gather_bg(bidx, gidx, bp, gp)
    ap = _repackT(E_artist.T, D_ARTIST, S_ARTIST, 16384)
    ea = _sc_gather_a(aidx, ap)
    num = jnp.stack([danceability, energy, loudness, speechiness, acousticness,
                     instrumentalness, liveness, valence, tempo], axis=1)
    return _mlp(num, ea, eb, eg,
                asel.reshape(B, 1),
                bsel.reshape(B, 1),
                (genre_id & 7).reshape(B, 1),
                W1[:9],
                jnp.tile(W1[9:9 + D_ARTIST], (2, 1)),
                jnp.tile(W1[9 + D_ARTIST:9 + D_ARTIST + D_ALBUM], (4, 1)),
                jnp.tile(W1[9 + D_ARTIST + D_ALBUM:], (8, 1)),
                b1.reshape(1, H1), W2, b2.reshape(1, H2))

# --- scband reference (transcript-rebuilt; emitter-appended) ---
"""Pipeline reference for scband-item-tower-65283502899201 (READ-ONLY COPY).

The authoritative reference and input builder live on the scoring server;
editing this copy changes nothing except your own understanding.
"""

import jax, jax.numpy as jnp
import numpy as np

B = 16384
V_ARTIST, D_ARTIST = 1000000, 64
V_ALBUM, D_ALBUM = 1000000, 32
V_GENRE, D_GENRE = 1000, 16
NUM_FEATS = ['danceability', 'energy', 'loudness', 'speechiness', 'acousticness', 'instrumentalness', 'liveness', 'valence', 'tempo']
IN_DIM = len(NUM_FEATS) + D_ARTIST + D_ALBUM + D_GENRE  # 9 + 64 + 32 + 16 = 121
H1, H2 = 256, 128


def setup_inputs(seed: int = 0) -> dict:
    key = jax.random.key(seed)
    ks = jax.random.split(key, 24)
    inp = {}
    for i, name in enumerate(NUM_FEATS):
        inp[name] = jax.random.normal(ks[i], (B,), dtype=jnp.float32)
    inp['artist_id'] = jax.random.randint(ks[9], (B,), 0, V_ARTIST, dtype=jnp.int32)
    inp['album_id'] = jax.random.randint(ks[10], (B,), 0, V_ALBUM, dtype=jnp.int32)
    inp['genre_id'] = jax.random.randint(ks[11], (B,), 0, V_GENRE, dtype=jnp.int32)
    # learned parameters (padding_idx=0 rows are zero, matching nn.Embedding(padding_idx=0))
    inp['E_artist'] = (jax.random.normal(ks[12], (V_ARTIST, D_ARTIST), dtype=jnp.float32) * 0.01).at[0].set(0.0)
    inp['E_album'] = (jax.random.normal(ks[13], (V_ALBUM, D_ALBUM), dtype=jnp.float32) * 0.01).at[0].set(0.0)
    inp['E_genre'] = (jax.random.normal(ks[14], (V_GENRE, D_GENRE), dtype=jnp.float32) * 0.01).at[0].set(0.0)
    inp['W1'] = jax.random.normal(ks[15], (IN_DIM, H1), dtype=jnp.float32) * 0.05
    inp['b1'] = jnp.zeros((H1,), dtype=jnp.float32)
    inp['W2'] = jax.random.normal(ks[16], (H1, H2), dtype=jnp.float32) * 0.05
    inp['b2'] = jnp.zeros((H2,), dtype=jnp.float32)
    return inp


def reference(danceability, energy, loudness, speechiness, acousticness, instrumentalness, liveness, valence, tempo, artist_id, album_id, genre_id, E_artist, E_album, E_genre, W1, b1, W2, b2):
    # stack numerical features along dim=1 -> [B, 9]
    num = jnp.stack([danceability, energy, loudness, speechiness, acousticness, instrumentalness, liveness, valence, tempo], axis=1)
    # embedding lookups (gather)
    ea = jnp.take(E_artist, artist_id, axis=0)
    eb = jnp.take(E_album, album_id, axis=0)
    eg = jnp.take(E_genre, genre_id, axis=0)
    x = jnp.concatenate([num, ea, eb, eg], axis=1)  # [B, 121]
    x = jax.nn.relu(x @ W1 + b1)
    x = jax.nn.relu(x @ W2 + b2)
    return x

if __name__ == "__main__":
    import jax
    _d = setup_inputs()
    print(jax.jit(kernel)(*tuple(_d.values())))

</pallas_src>

<mosaic_0001>
#map = affine_map<(d0, d1) -> (0, 0)>
module attributes {stable_mosaic.version = 14 : i64} {
  func.func @_sc_gather_bg(%arg0: i32, %arg1: i32, %arg2: memref<128x128xi32, #tpu.memory_space<hbm>>, %arg3: memref<128x128xi32, #tpu.memory_space<hbm>>, %arg4: memref<253952x128xf32, #tpu.memory_space<hbm>>, %arg5: memref<125x128xf32, #tpu.memory_space<hbm>>, %arg6: memref<16384x128xf32, #tpu.memory_space<hbm>>, %arg7: memref<16384x128xf32, #tpu.memory_space<hbm>>, %arg8: memref<1x128xi32, #tpu.memory_space<vmem>>, %arg9: memref<1x128xi32, #tpu.memory_space<vmem>>, %arg10: memref<128x128xf32, #tpu.memory_space<vmem>>, %arg11: memref<128x128xf32, #tpu.memory_space<vmem>>, %arg12: memref<!tpu.dma_semaphore, #tpu.memory_space<semaphore_mem>>, %arg13: memref<!tpu.dma_semaphore, #tpu.memory_space<semaphore_mem>>) attributes {dimension_semantics = [#tpu.dimension_semantics<core_parallel>, #tpu.dimension_semantics<subcore_parallel>], iteration_bounds = array<i64: 2, 16>, scalar_prefetch = 0 : i64, scratch_operands = 6 : i64, tpu.core_type = #tpu.core_type<sc_vector_subcore>, window_params = [{transform_indices = #map}, {transform_indices = #map}, {transform_indices = #map}, {transform_indices = #map}, {transform_indices = #map}, {transform_indices = #map}]} {
    %mul3A = arith.constant 2 : i32
    %mul3A_0 = arith.muli %arg1, %mul3A : i32
    %add3A = arith.addi %mul3A_0, %arg0 : i32
    %mul3A_1 = arith.constant 4 : i32
    %mul3A_2 = arith.muli %add3A, %mul3A_1 : i32
    %add3A_3 = arith.constant 0 : i32
    %add3A_4 = arith.addi %mul3A_2, %add3A_3 : i32
    "tpu.region"() ({
      %run_scoped3A = tpu.sem_alloc : memref<!tpu.dma_semaphore, #tpu.memory_space<semaphore_mem>>
      %dma_start3A_143 = arith.constant 0 : i32
      %dma_start3A_144 = tpu.memref_slice %arg2[%add3A_4, %dma_start3A_143] : memref<128x128xi32, #tpu.memory_space<hbm>> -> memref<1x128xi32, #tpu.memory_space<hbm>>
      %dma_start3A_145 = arith.constant 0 : i32
      %dma_start3A_146 = tpu.memref_slice %arg2[%add3A_4, %dma_start3A_145] : memref<128x128xi32, #tpu.memory_space<hbm>> -> memref<1x128xi32, #tpu.memory_space<hbm>>
      tpu.enqueue_dma source(%dma_start3A_146 : memref<1x128xi32, #tpu.memory_space<hbm>>) target(%arg8 : memref<1x128xi32, #tpu.memory_space<vmem>>) target_semaphore(%run_scoped3A : memref<!tpu.dma_semaphore, #tpu.memory_space<semaphore_mem>>)
      %dma_wait3A_147 = arith.constant 0 : i32
      %dma_wait3A_148 = tpu.memref_slice %arg2[%add3A_4, %dma_wait3A_147] : memref<128x128xi32, #tpu.memory_space<hbm>> -> memref<1x128xi32, #tpu.memory_space<hbm>>
      %dma_wait3A_149 = arith.constant 0 : i32
      %dma_wait3A_150 = tpu.memref_slice %arg2[%add3A_4, %dma_wait3A_149] : memref<128x128xi32, #tpu.memory_space<hbm>> -> memref<1x128xi32, #tpu.memory_space<hbm>>
      tpu.wait_dma2 semaphore(%run_scoped3A : memref<!tpu.dma_semaphore, #tpu.memory_space<semaphore_mem>>) src(%dma_wait3A_150 : memref<1x128xi32, #tpu.memory_space<hbm>>) dst(%arg8 : memref<1x128xi32, #tpu.memory_space<vmem>>)
      tpu.yield
    }) : () -> ()
    "tpu.region"() ({
      %run_scoped3A = tpu.sem_alloc : memref<!tpu.dma_semaphore, #tpu.memory_space<semaphore_mem>>
      %dma_start3A_143 = arith.constant 0 : i32
      %dma_start3A_144 = tpu.memref_slice %arg3[%add3A_4, %dma_start3A_143] : memref<128x128xi32, #tpu.memory_space<hbm>> -> memref<1x128xi32, #tpu.memory_space<hbm>>
      %dma_start3A_145 = arith.constant 0 : i32
      %dma_start3A_146 = tpu.memref_slice %arg3[%add3A_4, %dma_start3A_145] : memref<128x128xi32, #tpu.memory_space<hbm>> -> memref<1x128xi32, #tpu.memory_space<hbm>>
      tpu.enqueue_dma source(%dma_start3A_146 : memref<1x128xi32, #tpu.memory_space<hbm>>) target(%arg9 : memref<1x128xi32, #tpu.memory_space<vmem>>) target_semaphore(%run_scoped3A : memref<!tpu.dma_semaphore, #tpu.memory_space<semaphore_mem>>)
      %dma_wait3A_147 = arith.constant 0 : i32
      %dma_wait3A_148 = tpu.memref_slice %arg3[%add3A_4, %dma_wait3A_147] : memref<128x128xi32, #tpu.memory_space<hbm>> -> memref<1x128xi32, #tpu.memory_space<hbm>>
      %dma_wait3A_149 = arith.constant 0 : i32
      %dma_wait3A_150 = tpu.memref_slice %arg3[%add3A_4, %dma_wait3A_149] : memref<128x128xi32, #tpu.memory_space<hbm>> -> memref<1x128xi32, #tpu.memory_space<hbm>>
      tpu.wait_dma2 semaphore(%run_scoped3A : memref<!tpu.dma_semaphore, #tpu.memory_space<semaphore_mem>>) src(%dma_wait3A_150 : memref<1x128xi32, #tpu.memory_space<hbm>>) dst(%arg9 : memref<1x128xi32, #tpu.memory_space<vmem>>)
      tpu.yield
    }) : () -> ()
    %dma_start3A = arith.constant 0 : i32
    %dma_start3A_5 = arith.constant 0 : i32
    %dma_start3A_6 = tpu.memref_slice %arg8[%dma_start3A, %dma_start3A_5] : memref<1x128xi32, #tpu.memory_space<vmem>> -> memref<1x128xi32, #tpu.memory_space<vmem>>
    %dma_start3A_7 = tpu.memref_squeeze %dma_start3A_6 : memref<1x128xi32, #tpu.memory_space<vmem>> -> memref<128xi32, #tpu.memory_space<vmem>>
    %dma_start3A_8 = arith.constant 0 : i32
    %dma_start3A_9 = arith.constant 0 : i32
    %dma_start3A_10 = tpu.memref_slice %arg4[%dma_start3A_8, %dma_start3A_9] : memref<253952x128xf32, #tpu.memory_space<hbm>> -> memref<253952x128xf32, #tpu.memory_space<hbm>>
    tpu.enqueue_indirect_dma source(%dma_start3A_10 : memref<253952x128xf32, #tpu.memory_space<hbm>>) target(%arg10 : memref<128x128xf32, #tpu.memory_space<vmem>>) offsets(%dma_start3A_7 : memref<128xi32, #tpu.memory_space<vmem>>) semaphore(%arg12 : memref<!tpu.dma_semaphore, #tpu.memory_space<semaphore_mem>>)
    %dma_start3A_11 = arith.constant 0 : i32
    %dma_start3A_12 = arith.constant 0 : i32
    %dma_start3A_13 = tpu.memref_slice %arg9[%dma_start3A_11, %dma_start3A_12] : memref<1x128xi32, #tpu.memory_space<vmem>> -> memref<1x128xi32, #tpu.memory_space<vmem>>
    %dma_start3A_14 = tpu.memref_squeeze %dma_start3A_13 : memref<1x128xi32, #tpu.memory_space<vmem>> -> memref<128xi32, #tpu.memory_space<vmem>>
    %dma_start3A_15 = arith.constant 0 : i32
    %dma_start3A_16 = arith.constant 0 : i32
    %dma_start3A_17 = tpu.memref_slice %arg5[%dma_start3A_15, %dma_start3A_16] : memref<125x128xf32, #tpu.memory_space<hbm>> -> memref<125x128xf32, #tpu.memory_space<hbm>>
    tpu.enqueue_indirect_dma source(%dma_start3A_17 : memref<125x128xf32, #tpu.memory_space<hbm>>) target(%arg11 : memref<128x128xf32, #tpu.memory_space<vmem>>) offsets(%dma_start3A_14 : memref<128xi32, #tpu.memory_space<vmem>>) semaphore(%arg13 : memref<!tpu.dma_semaphore, #tpu.memory_space<semaphore_mem>>)
    %dma_wait3A = arith.constant 0 : i32
    %dma_wait3A_18 = arith.constant 0 : i32
    %dma_wait3A_19 = tpu.memref_slice %arg8[%dma_wait3A, %dma_wait3A_18] : memref<1x128xi32, #tpu.memory_space<vmem>> -> memref<1x128xi32, #tpu.memory_space<vmem>>
    %dma_wait3A_20 = tpu.memref_squeeze %dma_wait3A_19 : memref<1x128xi32, #tpu.memory_space<vmem>> -> memref<128xi32, #tpu.memory_space<vmem>>
    %dma_wait3A_21 = arith.constant 0 : i32
    %dma_wait3A_22 = arith.constant 0 : i32
    %dma_wait3A_23 = tpu.memref_slice %arg4[%dma_wait3A_21, %dma_wait3A_22] : memref<253952x128xf32, #tpu.memory_space<hbm>> -> memref<253952x128xf32, #tpu.memory_space<hbm>>
    tpu.wait_indirect_dma semaphore(%arg12 : memref<!tpu.dma_semaphore, #tpu.memory_space<semaphore_mem>>) src(%dma_wait3A_23 : memref<253952x128xf32, #tpu.memory_space<hbm>>) dst(%arg10 : memref<128x128xf32, #tpu.memory_space<vmem>>)
    %dma_wait3A_24 = arith.constant 0 : i32
    %dma_wait3A_25 = arith.constant 0 : i32
    %dma_wait3A_26 = tpu.memref_slice %arg9[%dma_wait3A_24, %dma_wait3A_25] : memref<1x128xi32, #tpu.memory_space<vmem>> -> memref<1x128xi32, #tpu.memory_space<vmem>>
    %dma_wait3A_27 = tpu.memref_squeeze %dma_wait3A_26 : memref<1x128xi32, #tpu.memory_space<vmem>> -> memref<128xi32, #tpu.memory_space<vmem>>
    %dma_wait3A_28 = arith.constant 0 : i32
    %dma_wait3A_29 = arith.constant 0 : i32
    %dma_wait3A_30 = tpu.memref_slice %arg5[%dma_wait3A_28, %dma_wait3A_29] : memref<125x128xf32, #tpu.memory_space<hbm>> -> memref<125x128xf32, #tpu.memory_space<hbm>>
    tpu.wait_indirect_dma semaphore(%arg13 : memref<!tpu.dma_semaphore, #tpu.memory_space<semaphore_mem>>) src(%dma_wait3A_30 : memref<125x128xf32, #tpu.memory_space<hbm>>) dst(%arg11 : memref<128x128xf32, #tpu.memory_space<vmem>>)
    %mul3A_31 = arith.constant 512 : i32
    %mul3A_32 = arith.muli %add3A, %mul3A_31 : i32
    %add3A_33 = arith.constant 0 : i32
    %add3A_34 = arith.addi %mul3A_32, %add3A_33 : i32
    "tpu.region"() ({
      %run_scoped3A = tpu.sem_alloc : memref<!tpu.dma_semaphore, #tpu.memory_space<semaphore_mem>>
      %dma_start3A_143 = arith.constant 0 : i32
      %dma_start3A_144 = tpu.memref_slice %arg6[%add3A_34, %dma_start3A_143] : memref<16384x128xf32, #tpu.memory_space<hbm>> -> memref<128x128xf32, #tpu.memory_space<hbm>>
      %dma_start3A_145 = arith.constant 0 : i32
      %dma_start3A_146 = tpu.memref_slice %arg6[%add3A_34, %dma_start3A_145] : memref<16384x128xf32, #tpu.memory_space<hbm>> -> memref<128x128xf32, #tpu.memory_space<hbm>>
      tpu.enqueue_dma source(%arg10 : memref<128x128xf32, #tpu.memory_space<vmem>>) target(%dma_start3A_146 : memref<128x128xf32, #tpu.memory_space<hbm>>) target_semaphore(%run_scoped3A : memref<!tpu.dma_semaphore, #tpu.memory_space<semaphore_mem>>)
      %dma_wait3A_147 = arith.constant 0 : i32
      %dma_wait3A_148 = tpu.memref_slice %arg6[%add3A_34, %dma_wait3A_147] : memref<16384x128xf32, #tpu.memory_space<hbm>> -> memref<128x128xf32, #tpu.memory_space<hbm>>
      %dma_wait3A_149 = arith.constant 0 : i32
      %dma_wait3A_150 = tpu.memref_slice %arg6[%add3A_34, %dma_wait3A_149] : memref<16384x128xf32, #tpu.memory_space<hbm>> -> memref<128x128xf32, #tpu.memory_space<hbm>>
      tpu.wait_dma2 semaphore(%run_scoped3A : memref<!tpu.dma_semaphore, #tpu.memory_space<semaphore_mem>>) src(%arg10 : memref<128x128xf32, #tpu.memory_space<vmem>>) dst(%dma_wait3A_150 : memref<128x128xf32, #tpu.memory_space<hbm>>)
      tpu.yield
    }) : () -> ()
    "tpu.region"() ({
      %run_scoped3A = tpu.sem_alloc : memref<!tpu.dma_semaphore, #tpu.memory_space<semaphore_mem>>
      %dma_start3A_143 = arith.constant 0 : i32
      %dma_start3A_144 = tpu.memref_slice %arg7[%add3A_34, %dma_start3A_143] : memref<16384x128xf32, #tpu.memory_space<hbm>> -> memref<128x128xf32, #tpu.memory_space<hbm>>
      %dma_start3A_145 = arith.constant 0 : i32
      %dma_start3A_146 = tpu.memref_slice %arg7[%add3A_34, %dma_start3A_145] : memref<16384x128xf32, #tpu.memory_space<hbm>> -> memref<128x128xf32, #tpu.memory_space<hbm>>
      tpu.enqueue_dma source(%arg11 : memref<128x128xf32, #tpu.memory_space<vmem>>) target(%dma_start3A_146 : memref<128x128xf32, #tpu.memory_space<hbm>>) target_semaphore(%run_scoped3A : memref<!tpu.dma_semaphore, #tpu.memory_space<semaphore_mem>>)
      %dma_wait3A_147 = arith.constant 0 : i32
      %dma_wait3A_148 = tpu.memref_slice %arg7[%add3A_34, %dma_wait3A_147] : memref<16384x128xf32, #tpu.memory_space<hbm>> -> memref<128x128xf32, #tpu.memory_space<hbm>>
      %dma_wait3A_149 = arith.constant 0 : i32
      %dma_wait3A_150 = tpu.memref_slice %arg7[%add3A_34, %dma_wait3A_149] : memref<16384x128xf32, #tpu.memory_space<hbm>> -> memref<128x128xf32, #tpu.memory_space<hbm>>
      tpu.wait_dma2 semaphore(%run_scoped3A : memref<!tpu.dma_semaphore, #tpu.memory_space<semaphore_mem>>) src(%arg11 : memref<128x128xf32, #tpu.memory_space<vmem>>) dst(%dma_wait3A_150 : memref<128x128xf32, #tpu.memory_space<hbm>>)
      tpu.yield
    }) : () -> ()
    %mul3A_35 = arith.constant 4 : i32
    %mul3A_36 = arith.muli %add3A, %mul3A_35 : i32
    %add3A_37 = arith.constant 1 : i32
    %add3A_38 = arith.addi %mul3A_36, %add3A_37 : i32
    "tpu.region"() ({
      %run_scoped3A = tpu.sem_alloc : memref<!tpu.dma_semaphore, #tpu.memory_space<semaphore_mem>>
      %dma_start3A_143 = arith.constant 0 : i32
      %dma_start3A_144 = tpu.memref_slice %arg2[%add3A_38, %dma_start3A_143] : memref<128x128xi32, #tpu.memory_space<hbm>> -> memref<1x128xi32, #tpu.memory_space<hbm>>
      %dma_start3A_145 = arith.constant 0 : i32
      %dma_start3A_146 = tpu.memref_slice %arg2[%add3A_38, %dma_start3A_145] : memref<128x128xi32, #tpu.memory_space<hbm>> -> memref<1x128xi32, #tpu.memory_space<hbm>>
      tpu.enqueue_dma source(%dma_start3A_146 : memref<1x128xi32, #tpu.memory_space<hbm>>) target(%arg8 : memref<1x128xi32, #tpu.memory_space<vmem>>) target_semaphore(%run_scoped3A : memref<!tpu.dma_semaphore, #tpu.memory_space<semaphore_mem>>)
      %dma_wait3A_147 = arith.constant 0 : i32
      %dma_wait3A_148 = tpu.memref_slice %arg2[%add3A_38, %dma_wait3A_147] : memref<128x128xi32, #tpu.memory_space<hbm>> -> memref<1x128xi32, #tpu.memory_space<hbm>>
      %dma_wait3A_149 = arith.constant 0 : i32
      %dma_wait3A_150 = tpu.memref_slice %arg2[%add3A_38, %dma_wait3A_149] : memref<128x128xi32, #tpu.memory_space<hbm>> -> memref<1x128xi32, #tpu.memory_space<hbm>>
      tpu.wait_dma2 semaphore(%run_scoped3A : memref<!tpu.dma_semaphore, #tpu.memory_space<semaphore_mem>>) src(%dma_wait3A_150 : memref<1x128xi32, #tpu.memory_space<hbm>>) dst(%arg8 : memref<1x128xi32, #tpu.memory_space<vmem>>)
      tpu.yield
    }) : () -> ()
    "tpu.region"() ({
      %run_scoped3A = tpu.sem_alloc : memref<!tpu.dma_semaphore, #tpu.memory_space<semaphore_mem>>
      %dma_start3A_143 = arith.constant 0 : i32
      %dma_start3A_144 = tpu.memref_slice %arg3[%add3A_38, %dma_start3A_143] : memref<128x128xi32, #tpu.memory_space<hbm>> -> memref<1x128xi32, #tpu.memory_space<hbm>>
      %dma_start3A_145 = arith.constant 0 : i32
      %dma_start3A_146 = tpu.memref_slice %arg3[%add3A_38, %dma_start3A_145] : memref<128x128xi32, #tpu.memory_space<hbm>> -> memref<1x128xi32, #tpu.memory_space<hbm>>
      tpu.enqueue_dma source(%dma_start3A_146 : memref<1x128xi32, #tpu.memory_space<hbm>>) target(%arg9 : memref<1x128xi32, #tpu.memory_space<vmem>>) target_semaphore(%run_scoped3A : memref<!tpu.dma_semaphore, #tpu.memory_space<semaphore_mem>>)
      %dma_wait3A_147 = arith.constant 0 : i32
      %dma_wait3A_148 = tpu.memref_slice %arg3[%add3A_38, %dma_wait3A_147] : memref<128x128xi32, #tpu.memory_space<hbm>> -> memref<1x128xi32, #tpu.memory_space<hbm>>
      %dma_wait3A_149 = arith.constant 0 : i32
      %dma_wait3A_150 = tpu.memref_slice %arg3[%add3A_38, %dma_wait3A_149] : memref<128x128xi32, #tpu.memory_space<hbm>> -> memref<1x128xi32, #tpu.memory_space<hbm>>
      tpu.wait_dma2 semaphore(%run_scoped3A : memref<!tpu.dma_semaphore, #tpu.memory_space<semaphore_mem>>) src(%dma_wait3A_150 : memref<1x128xi32, #tpu.memory_space<hbm>>) dst(%arg9 : memref<1x128xi32, #tpu.memory_space<vmem>>)
      tpu.yield
    }) : () -> ()
    %dma_start3A_39 = arith.constant 0 : i32
    %dma_start3A_40 = arith.constant 0 : i32
    %dma_start3A_41 = tpu.memref_slice %arg8[%dma_start3A_39, %dma_start3A_40] : memref<1x128xi32, #tpu.memory_space<vmem>> -> memref<1x128xi32, #tpu.memory_space<vmem>>
    %dma_start3A_42 = tpu.memref_squeeze %dma_start3A_41 : memref<1x128xi32, #tpu.memory_space<vmem>> -> memref<128xi32, #tpu.memory_space<vmem>>
    %dma_start3A_43 = arith.constant 0 : i32
    %dma_start3A_44 = arith.constant 0 : i32
    %dma_start3A_45 = tpu.memref_slice %arg4[%dma_start3A_43, %dma_start3A_44] : memref<253952x128xf32, #tpu.memory_space<hbm>> -> memref<253952x128xf32, #tpu.memory_space<hbm>>
    tpu.enqueue_indirect_dma source(%dma_start3A_45 : memref<253952x128xf32, #tpu.memory_space<hbm>>) target(%arg10 : memref<128x128xf32, #tpu.memory_space<vmem>>) offsets(%dma_start3A_42 : memref<128xi32, #tpu.memory_space<vmem>>) semaphore(%arg12 : memref<!tpu.dma_semaphore, #tpu.memory_space<semaphore_mem>>)
    %dma_start3A_46 = arith.constant 0 : i32
    %dma_start3A_47 = arith.constant 0 : i32
    %dma_start3A_48 = tpu.memref_slice %arg9[%dma_start3A_46, %dma_start3A_47] : memref<1x128xi32, #tpu.memory_space<vmem>> -> memref<1x128xi32, #tpu.memory_space<vmem>>
    %dma_start3A_49 = tpu.memref_squeeze %dma_start3A_48 : memref<1x128xi32, #tpu.memory_space<vmem>> -> memref<128xi32, #tpu.memory_space<vmem>>
    %dma_start3A_50 = arith.constant 0 : i32
    %dma_start3A_51 = arith.constant 0 : i32
    %dma_start3A_52 = tpu.memref_slice %arg5[%dma_start3A_50, %dma_start3A_51] : memref<125x128xf32, #tpu.memory_space<hbm>> -> memref<125x128xf32, #tpu.memory_space<hbm>>
    tpu.enqueue_indirect_dma source(%dma_start3A_52 : memref<125x128xf32, #tpu.memory_space<hbm>>) target(%arg11 : memref<128x128xf32, #tpu.memory_space<vmem>>) offsets(%dma_start3A_49 : memref<128xi32, #tpu.memory_space<vmem>>) semaphore(%arg13 : memref<!tpu.dma_semaphore, #tpu.memory_space<semaphore_mem>>)
    %dma_wait3A_53 = arith.constant 0 : i32
    %dma_wait3A_54 = arith.constant 0 : i32
    %dma_wait3A_55 = tpu.memref_slice %arg8[%dma_wait3A_53, %dma_wait3A_54] : memref<1x128xi32, #tpu.memory_space<vmem>> -> memref<1x128xi32, #tpu.memory_space<vmem>>
    %dma_wait3A_56 = tpu.memref_squeeze %dma_wait3A_55 : memref<1x128xi32, #tpu.memory_space<vmem>> -> memref<128xi32, #tpu.memory_space<vmem>>
    %dma_wait3A_57 = arith.constant 0 : i32
    %dma_wait3A_58 = arith.constant 0 : i32
    %dma_wait3A_59 = tpu.memref_slice %arg4[%dma_wait3A_57, %dma_wait3A_58] : memref<253952x128xf32, #tpu.memory_space<hbm>> -> memref<253952x128xf32, #tpu.memory_space<hbm>>
    tpu.wait_indirect_dma semaphore(%arg12 : memref<!tpu.dma_semaphore, #tpu.memory_space<semaphore_mem>>) src(%dma_wait3A_59 : memref<253952x128xf32, #tpu.memory_space<hbm>>) dst(%arg10 : memref<128x128xf32, #tpu.memory_space<vmem>>)
    %dma_wait3A_60 = arith.constant 0 : i32
    %dma_wait3A_61 = arith.constant 0 : i32
    %dma_wait3A_62 = tpu.memref_slice %arg9[%dma_wait3A_60, %dma_wait3A_61] : memref<1x128xi32, #tpu.memory_space<vmem>> -> memref<1x128xi32, #tpu.memory_space<vmem>>
    %dma_wait3A_63 = tpu.memref_squeeze %dma_wait3A_62 : memref<1x128xi32, #tpu.memory_space<vmem>> -> memref<128xi32, #tpu.memory_space<vmem>>
    %dma_wait3A_64 = arith.constant 0 : i32
    %dma_wait3A_65 = arith.constant 0 : i32
    %dma_wait3A_66 = tpu.memref_slice %arg5[%dma_wait3A_64, %dma_wait3A_65] : memref<125x128xf32, #tpu.memory_space<hbm>> -> memref<125x128xf32, #tpu.memory_space<hbm>>
    tpu.wait_indirect_dma semaphore(%arg13 : memref<!tpu.dma_semaphore, #tpu.memory_space<semaphore_mem>>) src(%dma_wait3A_66 : memref<125x128xf32, #tpu.memory_space<hbm>>) dst(%arg11 : memref<128x128xf32, #tpu.memory_space<vmem>>)
    %mul3A_67 = arith.constant 512 : i32
    %mul3A_68 = arith.muli %add3A, %mul3A_67 : i32
    %add3A_69 = arith.constant 128 : i32
    %add3A_70 = arith.addi %mul3A_68, %add3A_69 : i32
    "tpu.region"() ({
      %run_scoped3A = tpu.sem_alloc : memref<!tpu.dma_semaphore, #tpu.memory_space<semaphore_mem>>
      %dma_start3A_143 = arith.constant 0 : i32
      %dma_start3A_144 = tpu.memref_slice %arg6[%add3A_70, %dma_start3A_143] : memref<16384x128xf32, #tpu.memory_space<hbm>> -> memref<128x128xf32, #tpu.memory_space<hbm>>
      %dma_start3A_145 = arith.constant 0 : i32
      %dma_start3A_146 = tpu.memref_slice %arg6[%add3A_70, %dma_start3A_145] : memref<16384x128xf32, #tpu.memory_space<hbm>> -> memref<128x128xf32, #tpu.memory_space<hbm>>
      tpu.enqueue_dma source(%arg10 : memref<128x128xf32, #tpu.memory_space<vmem>>) target(%dma_start3A_146 : memref<128x128xf32, #tpu.memory_space<hbm>>) target_semaphore(%run_scoped3A : memref<!tpu.dma_semaphore, #tpu.memory_space<semaphore_mem>>)
      %dma_wait3A_147 = arith.constant 0 : i32
      %dma_wait3A_148 = tpu.memref_slice %arg6[%add3A_70, %dma_wait3A_147] : memref<16384x128xf32, #tpu.memory_space<hbm>> -> memref<128x128xf32, #tpu.memory_space<hbm>>
      %dma_wait3A_149 = arith.constant 0 : i32
      %dma_wait3A_150 = tpu.memref_slice %arg6[%add3A_70, %dma_wait3A_149] : memref<16384x128xf32, #tpu.memory_space<hbm>> -> memref<128x128xf32, #tpu.memory_space<hbm>>
      tpu.wait_dma2 semaphore(%run_scoped3A : memref<!tpu.dma_semaphore, #tpu.memory_space<semaphore_mem>>) src(%arg10 : memref<128x128xf32, #tpu.memory_space<vmem>>) dst(%dma_wait3A_150 : memref<128x128xf32, #tpu.memory_space<hbm>>)
      tpu.yield
    }) : () -> ()
    "tpu.region"() ({
      %run_scoped3A = tpu.sem_alloc : memref<!tpu.dma_semaphore, #tpu.memory_space<semaphore_mem>>
      %dma_start3A_143 = arith.constant 0 : i32
      %dma_start3A_144 = tpu.memref_slice %arg7[%add3A_70, %dma_start3A_143] : memref<16384x128xf32, #tpu.memory_space<hbm>> -> memref<128x128xf32, #tpu.memory_space<hbm>>
      %dma_start3A_145 = arith.constant 0 : i32
      %dma_start3A_146 = tpu.memref_slice %arg7[%add3A_70, %dma_start3A_145] : memref<16384x128xf32, #tpu.memory_space<hbm>> -> memref<128x128xf32, #tpu.memory_space<hbm>>
      tpu.enqueue_dma source(%arg11 : memref<128x128xf32, #tpu.memory_space<vmem>>) target(%dma_start3A_146 : memref<128x128xf32, #tpu.memory_space<hbm>>) target_semaphore(%run_scoped3A : memref<!tpu.dma_semaphore, #tpu.memory_space<semaphore_mem>>)
      %dma_wait3A_147 = arith.constant 0 : i32
      %dma_wait3A_148 = tpu.memref_slice %arg7[%add3A_70, %dma_wait3A_147] : memref<16384x128xf32, #tpu.memory_space<hbm>> -> memref<128x128xf32, #tpu.memory_space<hbm>>
      %dma_wait3A_149 = arith.constant 0 : i32
      %dma_wait3A_150 = tpu.memref_slice %arg7[%add3A_70, %dma_wait3A_149] : memref<16384x128xf32, #tpu.memory_space<hbm>> -> memref<128x128xf32, #tpu.memory_space<hbm>>
      tpu.wait_dma2 semaphore(%run_scoped3A : memref<!tpu.dma_semaphore, #tpu.memory_space<semaphore_mem>>) src(%arg11 : memref<128x128xf32, #tpu.memory_space<vmem>>) dst(%dma_wait3A_150 : memref<128x128xf32, #tpu.memory_space<hbm>>)
      tpu.yield
    }) : () -> ()
    %mul3A_71 = arith.constant 4 : i32
    %mul3A_72 = arith.muli %add3A, %mul3A_71 : i32
    %add3A_73 = arith.constant 2 : i32
    %add3A_74 = arith.addi %mul3A_72, %add3A_73 : i32
    "tpu.region"() ({
      %run_scoped3A = tpu.sem_alloc : memref<!tpu.dma_semaphore, #tpu.memory_space<semaphore_mem>>
      %dma_start3A_143 = arith.constant 0 : i32
      %dma_start3A_144 = tpu.memref_slice %arg2[%add3A_74, %dma_start3A_143] : memref<128x128xi32, #tpu.memory_space<hbm>> -> memref<1x128xi32, #tpu.memory_space<hbm>>
      %dma_start3A_145 = arith.constant 0 : i32
      %dma_start3A_146 = tpu.memref_slice %arg2[%add3A_74, %dma_start3A_145] : memref<128x128xi32, #tpu.memory_space<hbm>> -> memref<1x128xi32, #tpu.memory_space<hbm>>
      tpu.enqueue_dma source(%dma_start3A_146 : memref<1x128xi32, #tpu.memory_space<hbm>>) target(%arg8 : memref<1x128xi32, #tpu.memory_space<vmem>>) target_semaphore(%run_scoped3A : memref<!tpu.dma_semaphore, #tpu.memory_space<semaphore_mem>>)
      %dma_wait3A_147 = arith.constant 0 : i32
      %dma_wait3A_148 = tpu.memref_slice %arg2[%add3A_74, %dma_wait3A_147] : memref<128x128xi32, #tpu.memory_space<hbm>> -> memref<1x128xi32, #tpu.memory_space<hbm>>
      %dma_wait3A_149 = arith.constant 0 : i32
      %dma_wait3A_150 = tpu.memref_slice %arg2[%add3A_74, %dma_wait3A_149] : memref<128x128xi32, #tpu.memory_space<hbm>> -> memref<1x128xi32, #tpu.memory_space<hbm>>
      tpu.wait_dma2 semaphore(%run_scoped3A : memref<!tpu.dma_semaphore, #tpu.memory_space<semaphore_mem>>) src(%dma_wait3A_150 : memref<1x128xi32, #tpu.memory_space<hbm>>) dst(%arg8 : memref<1x128xi32, #tpu.memory_space<vmem>>)
      tpu.yield
    }) : () -> ()
    "tpu.region"() ({
      %run_scoped3A = tpu.sem_alloc : memref<!tpu.dma_semaphore, #tpu.memory_space<semaphore_mem>>
      %dma_start3A_143 = arith.constant 0 : i32
      %dma_start3A_144 = tpu.memref_slice %arg3[%add3A_74, %dma_start3A_143] : memref<128x128xi32, #tpu.memory_space<hbm>> -> memref<1x128xi32, #tpu.memory_space<hbm>>
      %dma_start3A_145 = arith.constant 0 : i32
      %dma_start3A_146 = tpu.memref_slice %arg3[%add3A_74, %dma_start3A_145] : memref<128x128xi32, #tpu.memory_space<hbm>> -> memref<1x128xi32, #tpu.memory_space<hbm>>
      tpu.enqueue_dma source(%dma_start3A_146 : memref<1x128xi32, #tpu.memory_space<hbm>>) target(%arg9 : memref<1x128xi32, #tpu.memory_space<vmem>>) target_semaphore(%run_scoped3A : memref<!tpu.dma_semaphore, #tpu.memory_space<semaphore_mem>>)
      %dma_wait3A_147 = arith.constant 0 : i32
      %dma_wait3A_148 = tpu.memref_slice %arg3[%add3A_74, %dma_wait3A_147] : memref<128x128xi32, #tpu.memory_space<hbm>> -> memref<1x128xi32, #tpu.memory_space<hbm>>
      %dma_wait3A_149 = arith.constant 0 : i32
      %dma_wait3A_150 = tpu.memref_slice %arg3[%add3A_74, %dma_wait3A_149] : memref<128x128xi32, #tpu.memory_space<hbm>> -> memref<1x128xi32, #tpu.memory_space<hbm>>
      tpu.wait_dma2 semaphore(%run_scoped3A : memref<!tpu.dma_semaphore, #tpu.memory_space<semaphore_mem>>) src(%dma_wait3A_150 : memref<1x128xi32, #tpu.memory_space<hbm>>) dst(%arg9 : memref<1x128xi32, #tpu.memory_space<vmem>>)
      tpu.yield
    }) : () -> ()
    %dma_start3A_75 = arith.constant 0 : i32
    %dma_start3A_76 = arith.constant 0 : i32
    %dma_start3A_77 = tpu.memref_slice %arg8[%dma_start3A_75, %dma_start3A_76] : memref<1x128xi32, #tpu.memory_space<vmem>> -> memref<1x128xi32, #tpu.memory_space<vmem>>
    %dma_start3A_78 = tpu.memref_squeeze %dma_start3A_77 : memref<1x128xi32, #tpu.memory_space<vmem>> -> memref<128xi32, #tpu.memory_space<vmem>>
    %dma_start3A_79 = arith.constant 0 : i32
    %dma_start3A_80 = arith.constant 0 : i32
    %dma_start3A_81 = tpu.memref_slice %arg4[%dma_start3A_79, %dma_start3A_80] : memref<253952x128xf32, #tpu.memory_space<hbm>> -> memref<253952x128xf32, #tpu.memory_space<hbm>>
    tpu.enqueue_indirect_dma source(%dma_start3A_81 : memref<253952x128xf32, #tpu.memory_space<hbm>>) target(%arg10 : memref<128x128xf32, #tpu.memory_space<vmem>>) offsets(%dma_start3A_78 : memref<128xi32, #tpu.memory_space<vmem>>) semaphore(%arg12 : memref<!tpu.dma_semaphore, #tpu.memory_space<semaphore_mem>>)
    %dma_start3A_82 = arith.constant 0 : i32
    %dma_start3A_83 = arith.constant 0 : i32
    %dma_start3A_84 = tpu.memref_slice %arg9[%dma_start3A_82, %dma_start3A_83] : memref<1x128xi32, #tpu.memory_space<vmem>> -> memref<1x128xi32, #tpu.memory_space<vmem>>
    %dma_start3A_85 = tpu.memref_squeeze %dma_start3A_84 : memref<1x128xi32, #tpu.memory_space<vmem>> -> memref<128xi32, #tpu.memory_space<vmem>>
    %dma_start3A_86 = arith.constant 0 : i32
    %dma_start3A_87 = arith.constant 0 : i32
    %dma_start3A_88 = tpu.memref_slice %arg5[%dma_start3A_86, %dma_start3A_87] : memref<125x128xf32, #tpu.memory_space<hbm>> -> memref<125x128xf32, #tpu.memory_space<hbm>>
    tpu.enqueue_indirect_dma source(%dma_start3A_88 : memref<125x128xf32, #tpu.memory_space<hbm>>) target(%arg11 : memref<128x128xf32, #tpu.memory_space<vmem>>) offsets(%dma_start3A_85 : memref<128xi32, #tpu.memory_space<vmem>>) semaphore(%arg13 : memref<!tpu.dma_semaphore, #tpu.memory_space<semaphore_mem>>)
    %dma_wait3A_89 = arith.constant 0 : i32
    %dma_wait3A_90 = arith.constant 0 : i32
    %dma_wait3A_91 = tpu.memref_slice %arg8[%dma_wait3A_89, %dma_wait3A_90] : memref<1x128xi32, #tpu.memory_space<vmem>> -> memref<1x128xi32, #tpu.memory_space<vmem>>
    %dma_wait3A_92 = tpu.memref_squeeze %dma_wait3A_91 : memref<1x128xi32, #tpu.memory_space<vmem>> -> memref<128xi32, #tpu.memory_space<vmem>>
    %dma_wait3A_93 = arith.constant 0 : i32
    %dma_wait3A_94 = arith.constant 0 : i32
    %dma_wait3A_95 = tpu.memref_slice %arg4[%dma_wait3A_93, %dma_wait3A_94] : memref<253952x128xf32, #tpu.memory_space<hbm>> -> memref<253952x128xf32, #tpu.memory_space<hbm>>
    tpu.wait_indirect_dma semaphore(%arg12 : memref<!tpu.dma_semaphore, #tpu.memory_space<semaphore_mem>>) src(%dma_wait3A_95 : memref<253952x128xf32, #tpu.memory_space<hbm>>) dst(%arg10 : memref<128x128xf32, #tpu.memory_space<vmem>>)
    %dma_wait3A_96 = arith.constant 0 : i32
    %dma_wait3A_97 = arith.constant 0 : i32
    %dma_wait3A_98 = tpu.memref_slice %arg9[%dma_wait3A_96, %dma_wait3A_97] : memref<1x128xi32, #tpu.memory_space<vmem>> -> memref<1x128xi32, #tpu.memory_space<vmem>>
    %dma_wait3A_99 = tpu.memref_squeeze %dma_wait3A_98 : memref<1x128xi32, #tpu.memory_space<vmem>> -> memref<128xi32, #tpu.memory_space<vmem>>
    %dma_wait3A_100 = arith.constant 0 : i32
    %dma_wait3A_101 = arith.constant 0 : i32
    %dma_wait3A_102 = tpu.memref_slice %arg5[%dma_wait3A_100, %dma_wait3A_101] : memref<125x128xf32, #tpu.memory_space<hbm>> -> memref<125x128xf32, #tpu.memory_space<hbm>>
    tpu.wait_indirect_dma semaphore(%arg13 : memref<!tpu.dma_semaphore, #tpu.memory_space<semaphore_mem>>) src(%dma_wait3A_102 : memref<125x128xf32, #tpu.memory_space<hbm>>) dst(%arg11 : memref<128x128xf32, #tpu.memory_space<vmem>>)
    %mul3A_103 = arith.constant 512 : i32
    %mul3A_104 = arith.muli %add3A, %mul3A_103 : i32
    %add3A_105 = arith.constant 256 : i32
    %add3A_106 = arith.addi %mul3A_104, %add3A_105 : i32
    "tpu.region"() ({
      %run_scoped3A = tpu.sem_alloc : memref<!tpu.dma_semaphore, #tpu.memory_space<semaphore_mem>>
      %dma_start3A_143 = arith.constant 0 : i32
      %dma_start3A_144 = tpu.memref_slice %arg6[%add3A_106, %dma_start3A_143] : memref<16384x128xf32, #tpu.memory_space<hbm>> -> memref<128x128xf32, #tpu.memory_space<hbm>>
      %dma_start3A_145 = arith.constant 0 : i32
      %dma_start3A_146 = tpu.memref_slice %arg6[%add3A_106, %dma_start3A_145] : memref<16384x128xf32, #tpu.memory_space<hbm>> -> memref<128x128xf32, #tpu.memory_space<hbm>>
      tpu.enqueue_dma source(%arg10 : memref<128x128xf32, #tpu.memory_space<vmem>>) target(%dma_start3A_146 : memref<128x128xf32, #tpu.memory_space<hbm>>) target_semaphore(%run_scoped3A : memref<!tpu.dma_semaphore, #tpu.memory_space<semaphore_mem>>)
      %dma_wait3A_147 = arith.constant 0 : i32
      %dma_wait3A_148 = tpu.memref_slice %arg6[%add3A_106, %dma_wait3A_147] : memref<16384x128xf32, #tpu.memory_space<hbm>> -> memref<128x128xf32, #tpu.memory_space<hbm>>
      %dma_wait3A_149 = arith.constant 0 : i32
      %dma_wait3A_150 = tpu.memref_slice %arg6[%add3A_106, %dma_wait3A_149] : memref<16384x128xf32, #tpu.memory_space<hbm>> -> memref<128x128xf32, #tpu.memory_space<hbm>>
      tpu.wait_dma2 semaphore(%run_scoped3A : memref<!tpu.dma_semaphore, #tpu.memory_space<semaphore_mem>>) src(%arg10 : memref<128x128xf32, #tpu.memory_space<vmem>>) dst(%dma_wait3A_150 : memref<128x128xf32, #tpu.memory_space<hbm>>)
      tpu.yield
    }) : () -> ()
    "tpu.region"() ({
      %run_scoped3A = tpu.sem_alloc : memref<!tpu.dma_semaphore, #tpu.memory_space<semaphore_mem>>
      %dma_start3A_143 = arith.constant 0 : i32
      %dma_start3A_144 = tpu.memref_slice %arg7[%add3A_106, %dma_start3A_143] : memref<16384x128xf32, #tpu.memory_space<hbm>> -> memref<128x128xf32, #tpu.memory_space<hbm>>
      %dma_start3A_145 = arith.constant 0 : i32
      %dma_start3A_146 = tpu.memref_slice %arg7[%add3A_106, %dma_start3A_145] : memref<16384x128xf32, #tpu.memory_space<hbm>> -> memref<128x128xf32, #tpu.memory_space<hbm>>
      tpu.enqueue_dma source(%arg11 : memref<128x128xf32, #tpu.memory_space<vmem>>) target(%dma_start3A_146 : memref<128x128xf32, #tpu.memory_space<hbm>>) target_semaphore(%run_scoped3A : memref<!tpu.dma_semaphore, #tpu.memory_space<semaphore_mem>>)
      %dma_wait3A_147 = arith.constant 0 : i32
      %dma_wait3A_148 = tpu.memref_slice %arg7[%add3A_106, %dma_wait3A_147] : memref<16384x128xf32, #tpu.memory_space<hbm>> -> memref<128x128xf32, #tpu.memory_space<hbm>>
      %dma_wait3A_149 = arith.constant 0 : i32
      %dma_wait3A_150 = tpu.memref_slice %arg7[%add3A_106, %dma_wait3A_149] : memref<16384x128xf32, #tpu.memory_space<hbm>> -> memref<128x128xf32, #tpu.memory_space<hbm>>
      tpu.wait_dma2 semaphore(%run_scoped3A : memref<!tpu.dma_semaphore, #tpu.memory_space<semaphore_mem>>) src(%arg11 : memref<128x128xf32, #tpu.memory_space<vmem>>) dst(%dma_wait3A_150 : memref<128x128xf32, #tpu.memory_space<hbm>>)
      tpu.yield
    }) : () -> ()
    %mul3A_107 = arith.constant 4 : i32
    %mul3A_108 = arith.muli %add3A, %mul3A_107 : i32
    %add3A_109 = arith.constant 3 : i32
    %add3A_110 = arith.addi %mul3A_108, %add3A_109 : i32
    "tpu.region"() ({
      %run_scoped3A = tpu.sem_alloc : memref<!tpu.dma_semaphore, #tpu.memory_space<semaphore_mem>>
      %dma_start3A_143 = arith.constant 0 : i32
      %dma_start3A_144 = tpu.memref_slice %arg2[%add3A_110, %dma_start3A_143] : memref<128x128xi32, #tpu.memory_space<hbm>> -> memref<1x128xi32, #tpu.memory_space<hbm>>
      %dma_start3A_145 = arith.constant 0 : i32
      %dma_start3A_146 = tpu.memref_slice %arg2[%add3A_110, %dma_start3A_145] : memref<128x128xi32, #tpu.memory_space<hbm>> -> memref<1x128xi32, #tpu.memory_space<hbm>>
      tpu.enqueue_dma source(%dma_start3A_146 : memref<1x128xi32, #tpu.memory_space<hbm>>) target(%arg8 : memref<1x128xi32, #tpu.memory_space<vmem>>) target_semaphore(%run_scoped3A : memref<!tpu.dma_semaphore, #tpu.memory_space<semaphore_mem>>)
      %dma_wait3A_147 = arith.constant 0 : i32
      %dma_wait3A_148 = tpu.memref_slice %arg2[%add3A_110, %dma_wait3A_147] : memref<128x128xi32, #tpu.memory_space<hbm>> -> memref<1x128xi32, #tpu.memory_space<hbm>>
      %dma_wait3A_149 = arith.constant 0 : i32
      %dma_wait3A_150 = tpu.memref_slice %arg2[%add3A_110, %dma_wait3A_149] : memref<128x128xi32, #tpu.memory_space<hbm>> -> memref<1x128xi32, #tpu.memory_space<hbm>>
      tpu.wait_dma2 semaphore(%run_scoped3A : memref<!tpu.dma_semaphore, #tpu.memory_space<semaphore_mem>>) src(%dma_wait3A_150 : memref<1x128xi32, #tpu.memory_space<hbm>>) dst(%arg8 : memref<1x128xi32, #tpu.memory_space<vmem>>)
      tpu.yield
    }) : () -> ()
    "tpu.region"() ({
      %run_scoped3A = tpu.sem_alloc : memref<!tpu.dma_semaphore, #tpu.memory_space<semaphore_mem>>
      %dma_start3A_143 = arith.constant 0 : i32
      %dma_start3A_144 = tpu.memref_slice %arg3[%add3A_110, %dma_start3A_143] : memref<128x128xi32, #tpu.memory_space<hbm>> -> memref<1x128xi32, #tpu.memory_space<hbm>>
      %dma_start3A_145 = arith.constant 0 : i32
      %dma_start3A_146 = tpu.memref_slice %arg3[%add3A_110, %dma_start3A_145] : memref<128x128xi32, #tpu.memory_space<hbm>> -> memref<1x128xi32, #tpu.memory_space<hbm>>
      tpu.enqueue_dma source(%dma_start3A_146 : memref<1x128xi32, #tpu.memory_space<hbm>>) target(%arg9 : memref<1x128xi32, #tpu.memory_space<vmem>>) target_semaphore(%run_scoped3A : memref<!tpu.dma_semaphore, #tpu.memory_space<semaphore_mem>>)
      %dma_wait3A_147 = arith.constant 0 : i32
      %dma_wait3A_148 = tpu.memref_slice %arg3[%add3A_110, %dma_wait3A_147] : memref<128x128xi32, #tpu.memory_space<hbm>> -> memref<1x128xi32, #tpu.memory_space<hbm>>
      %dma_wait3A_149 = arith.constant 0 : i32
      %dma_wait3A_150 = tpu.memref_slice %arg3[%add3A_110, %dma_wait3A_149] : memref<128x128xi32, #tpu.memory_space<hbm>> -> memref<1x128xi32, #tpu.memory_space<hbm>>
      tpu.wait_dma2 semaphore(%run_scoped3A : memref<!tpu.dma_semaphore, #tpu.memory_space<semaphore_mem>>) src(%dma_wait3A_150 : memref<1x128xi32, #tpu.memory_space<hbm>>) dst(%arg9 : memref<1x128xi32, #tpu.memory_space<vmem>>)
      tpu.yield
    }) : () -> ()
    %dma_start3A_111 = arith.constant 0 : i32
    %dma_start3A_112 = arith.constant 0 : i32
    %dma_start3A_113 = tpu.memref_slice %arg8[%dma_start3A_111, %dma_start3A_112] : memref<1x128xi32, #tpu.memory_space<vmem>> -> memref<1x128xi32, #tpu.memory_space<vmem>>
    %dma_start3A_114 = tpu.memref_squeeze %dma_start3A_113 : memref<1x128xi32, #tpu.memory_space<vmem>> -> memref<128xi32, #tpu.memory_space<vmem>>
    %dma_start3A_115 = arith.constant 0 : i32
    %dma_start3A_116 = arith.constant 0 : i32
    %dma_start3A_117 = tpu.memref_slice %arg4[%dma_start3A_115, %dma_start3A_116] : memref<253952x128xf32, #tpu.memory_space<hbm>> -> memref<253952x128xf32, #tpu.memory_space<hbm>>
    tpu.enqueue_indirect_dma source(%dma_start3A_117 : memref<253952x128xf32, #tpu.memory_space<hbm>>) target(%arg10 : memref<128x128xf32, #tpu.memory_space<vmem>>) offsets(%dma_start3A_114 : memref<128xi32, #tpu.memory_space<vmem>>) semaphore(%arg12 : memref<!tpu.dma_semaphore, #tpu.memory_space<semaphore_mem>>)
    %dma_start3A_118 = arith.constant 0 : i32
    %dma_start3A_119 = arith.constant 0 : i32
    %dma_start3A_120 = tpu.memref_slice %arg9[%dma_start3A_118, %dma_start3A_119] : memref<1x128xi32, #tpu.memory_space<vmem>> -> memref<1x128xi32, #tpu.memory_space<vmem>>
    %dma_start3A_121 = tpu.memref_squeeze %dma_start3A_120 : memref<1x128xi32, #tpu.memory_space<vmem>> -> memref<128xi32, #tpu.memory_space<vmem>>
    %dma_start3A_122 = arith.constant 0 : i32
    %dma_start3A_123 = arith.constant 0 : i32
    %dma_start3A_124 = tpu.memref_slice %arg5[%dma_start3A_122, %dma_start3A_123] : memref<125x128xf32, #tpu.memory_space<hbm>> -> memref<125x128xf32, #tpu.memory_space<hbm>>
    tpu.enqueue_indirect_dma source(%dma_start3A_124 : memref<125x128xf32, #tpu.memory_space<hbm>>) target(%arg11 : memref<128x128xf32, #tpu.memory_space<vmem>>) offsets(%dma_start3A_121 : memref<128xi32, #tpu.memory_space<vmem>>) semaphore(%arg13 : memref<!tpu.dma_semaphore, #tpu.memory_space<semaphore_mem>>)
    %dma_wait3A_125 = arith.constant 0 : i32
    %dma_wait3A_126 = arith.constant 0 : i32
    %dma_wait3A_127 = tpu.memref_slice %arg8[%dma_wait3A_125, %dma_wait3A_126] : memref<1x128xi32, #tpu.memory_space<vmem>> -> memref<1x128xi32, #tpu.memory_space<vmem>>
    %dma_wait3A_128 = tpu.memref_squeeze %dma_wait3A_127 : memref<1x128xi32, #tpu.memory_space<vmem>> -> memref<128xi32, #tpu.memory_space<vmem>>
    %dma_wait3A_129 = arith.constant 0 : i32
    %dma_wait3A_130 = arith.constant 0 : i32
    %dma_wait3A_131 = tpu.memref_slice %arg4[%dma_wait3A_129, %dma_wait3A_130] : memref<253952x128xf32, #tpu.memory_space<hbm>> -> memref<253952x128xf32, #tpu.memory_space<hbm>>
    tpu.wait_indirect_dma semaphore(%arg12 : memref<!tpu.dma_semaphore, #tpu.memory_space<semaphore_mem>>) src(%dma_wait3A_131 : memref<253952x128xf32, #tpu.memory_space<hbm>>) dst(%arg10 : memref<128x128xf32, #tpu.memory_space<vmem>>)
    %dma_wait3A_132 = arith.constant 0 : i32
    %dma_wait3A_133 = arith.constant 0 : i32
    %dma_wait3A_134 = tpu.memref_slice %arg9[%dma_wait3A_132, %dma_wait3A_133] : memref<1x128xi32, #tpu.memory_space<vmem>> -> memref<1x128xi32, #tpu.memory_space<vmem>>
    %dma_wait3A_135 = tpu.memref_squeeze %dma_wait3A_134 : memref<1x128xi32, #tpu.memory_space<vmem>> -> memref<128xi32, #tpu.memory_space<vmem>>
    %dma_wait3A_136 = arith.constant 0 : i32
    %dma_wait3A_137 = arith.constant 0 : i32
    %dma_wait3A_138 = tpu.memref_slice %arg5[%dma_wait3A_136, %dma_wait3A_137] : memref<125x128xf32, #tpu.memory_space<hbm>> -> memref<125x128xf32, #tpu.memory_space<hbm>>
    tpu.wait_indirect_dma semaphore(%arg13 : memref<!tpu.dma_semaphore, #tpu.memory_space<semaphore_mem>>) src(%dma_wait3A_138 : memref<125x128xf32, #tpu.memory_space<hbm>>) dst(%arg11 : memref<128x128xf32, #tpu.memory_space<vmem>>)
    %mul3A_139 = arith.constant 512 : i32
    %mul3A_140 = arith.muli %add3A, %mul3A_139 : i32
    %add3A_141 = arith.constant 384 : i32
    %add3A_142 = arith.addi %mul3A_140, %add3A_141 : i32
    "tpu.region"() ({
      %run_scoped3A = tpu.sem_alloc : memref<!tpu.dma_semaphore, #tpu.memory_space<semaphore_mem>>
      %dma_start3A_143 = arith.constant 0 : i32
      %dma_start3A_144 = tpu.memref_slice %arg6[%add3A_142, %dma_start3A_143] : memref<16384x128xf32, #tpu.memory_space<hbm>> -> memref<128x128xf32, #tpu.memory_space<hbm>>
      %dma_start3A_145 = arith.constant 0 : i32
      %dma_start3A_146 = tpu.memref_slice %arg6[%add3A_142, %dma_start3A_145] : memref<16384x128xf32, #tpu.memory_space<hbm>> -> memref<128x128xf32, #tpu.memory_space<hbm>>
      tpu.enqueue_dma source(%arg10 : memref<128x128xf32, #tpu.memory_space<vmem>>) target(%dma_start3A_146 : memref<128x128xf32, #tpu.memory_space<hbm>>) target_semaphore(%run_scoped3A : memref<!tpu.dma_semaphore, #tpu.memory_space<semaphore_mem>>)
      %dma_wait3A_147 = arith.constant 0 : i32
      %dma_wait3A_148 = tpu.memref_slice %arg6[%add3A_142, %dma_wait3A_147] : memref<16384x128xf32, #tpu.memory_space<hbm>> -> memref<128x128xf32, #tpu.memory_space<hbm>>
      %dma_wait3A_149 = arith.constant 0 : i32
      %dma_wait3A_150 = tpu.memref_slice %arg6[%add3A_142, %dma_wait3A_149] : memref<16384x128xf32, #tpu.memory_space<hbm>> -> memref<128x128xf32, #tpu.memory_space<hbm>>
      tpu.wait_dma2 semaphore(%run_scoped3A : memref<!tpu.dma_semaphore, #tpu.memory_space<semaphore_mem>>) src(%arg10 : memref<128x128xf32, #tpu.memory_space<vmem>>) dst(%dma_wait3A_150 : memref<128x128xf32, #tpu.memory_space<hbm>>)
      tpu.yield
    }) : () -> ()
    "tpu.region"() ({
      %run_scoped3A = tpu.sem_alloc : memref<!tpu.dma_semaphore, #tpu.memory_space<semaphore_mem>>
      %dma_start3A_143 = arith.constant 0 : i32
      %dma_start3A_144 = tpu.memref_slice %arg7[%add3A_142, %dma_start3A_143] : memref<16384x128xf32, #tpu.memory_space<hbm>> -> memref<128x128xf32, #tpu.memory_space<hbm>>
      %dma_start3A_145 = arith.constant 0 : i32
      %dma_start3A_146 = tpu.memref_slice %arg7[%add3A_142, %dma_start3A_145] : memref<16384x128xf32, #tpu.memory_space<hbm>> -> memref<128x128xf32, #tpu.memory_space<hbm>>
      tpu.enqueue_dma source(%arg11 : memref<128x128xf32, #tpu.memory_space<vmem>>) target(%dma_start3A_146 : memref<128x128xf32, #tpu.memory_space<hbm>>) target_semaphore(%run_scoped3A : memref<!tpu.dma_semaphore, #tpu.memory_space<semaphore_mem>>)
      %dma_wait3A_147 = arith.constant 0 : i32
      %dma_wait3A_148 = tpu.memref_slice %arg7[%add3A_142, %dma_wait3A_147] : memref<16384x128xf32, #tpu.memory_space<hbm>> -> memref<128x128xf32, #tpu.memory_space<hbm>>
      %dma_wait3A_149 = arith.constant 0 : i32
      %dma_wait3A_150 = tpu.memref_slice %arg7[%add3A_142, %dma_wait3A_149] : memref<16384x128xf32, #tpu.memory_space<hbm>> -> memref<128x128xf32, #tpu.memory_space<hbm>>
      tpu.wait_dma2 semaphore(%run_scoped3A : memref<!tpu.dma_semaphore, #tpu.memory_space<semaphore_mem>>) src(%arg11 : memref<128x128xf32, #tpu.memory_space<vmem>>) dst(%dma_wait3A_150 : memref<128x128xf32, #tpu.memory_space<hbm>>)
      tpu.yield
    }) : () -> ()
    return
  }
}

#map = affine_map<(d0, d1) -> (0, 0)>
module attributes {stable_mosaic.version = 14 : i64} {
  func.func @_sc_gather_a(%arg0: i32, %arg1: i32, %arg2: memref<128x128xi32, #tpu.memory_space<hbm>>, %arg3: memref<507904x128xf32, #tpu.memory_space<hbm>>, %arg4: memref<16384x128xf32, #tpu.memory_space<hbm>>, %arg5: memref<1x128xi32, #tpu.memory_space<vmem>>, %arg6: memref<1x128xi32, #tpu.memory_space<vmem>>, %arg7: memref<128x128xf32, #tpu.memory_space<vmem>>, %arg8: memref<128x128xf32, #tpu.memory_space<vmem>>, %arg9: memref<!tpu.dma_semaphore, #tpu.memory_space<semaphore_mem>>, %arg10: memref<!tpu.dma_semaphore, #tpu.memory_space<semaphore_mem>>) attributes {dimension_semantics = [#tpu.dimension_semantics<core_parallel>, #tpu.dimension_semantics<subcore_parallel>], iteration_bounds = array<i64: 2, 16>, scalar_prefetch = 0 : i64, scratch_operands = 6 : i64, tpu.core_type = #tpu.core_type<sc_vector_subcore>, window_params = [{transform_indices = #map}, {transform_indices = #map}, {transform_indices = #map}]} {
    %mul3A = arith.constant 2 : i32
    %mul3A_0 = arith.muli %arg1, %mul3A : i32
    %add3A = arith.addi %mul3A_0, %arg0 : i32
    %mul3A_1 = arith.constant 4 : i32
    %mul3A_2 = arith.muli %add3A, %mul3A_1 : i32
    %add3A_3 = arith.constant 0 : i32
    %add3A_4 = arith.addi %mul3A_2, %add3A_3 : i32
    "tpu.region"() ({
      %run_scoped3A = tpu.sem_alloc : memref<!tpu.dma_semaphore, #tpu.memory_space<semaphore_mem>>
      %dma_start3A_87 = arith.constant 0 : i32
      %dma_start3A_88 = tpu.memref_slice %arg2[%add3A_4, %dma_start3A_87] : memref<128x128xi32, #tpu.memory_space<hbm>> -> memref<1x128xi32, #tpu.memory_space<hbm>>
      %dma_start3A_89 = arith.constant 0 : i32
      %dma_start3A_90 = tpu.memref_slice %arg2[%add3A_4, %dma_start3A_89] : memref<128x128xi32, #tpu.memory_space<hbm>> -> memref<1x128xi32, #tpu.memory_space<hbm>>
      tpu.enqueue_dma source(%dma_start3A_90 : memref<1x128xi32, #tpu.memory_space<hbm>>) target(%arg5 : memref<1x128xi32, #tpu.memory_space<vmem>>) target_semaphore(%run_scoped3A : memref<!tpu.dma_semaphore, #tpu.memory_space<semaphore_mem>>)
      %dma_wait3A_91 = arith.constant 0 : i32
      %dma_wait3A_92 = tpu.memref_slice %arg2[%add3A_4, %dma_wait3A_91] : memref<128x128xi32, #tpu.memory_space<hbm>> -> memref<1x128xi32, #tpu.memory_space<hbm>>
      %dma_wait3A_93 = arith.constant 0 : i32
      %dma_wait3A_94 = tpu.memref_slice %arg2[%add3A_4, %dma_wait3A_93] : memref<128x128xi32, #tpu.memory_space<hbm>> -> memref<1x128xi32, #tpu.memory_space<hbm>>
      tpu.wait_dma2 semaphore(%run_scoped3A : memref<!tpu.dma_semaphore, #tpu.memory_space<semaphore_mem>>) src(%dma_wait3A_94 : memref<1x128xi32, #tpu.memory_space<hbm>>) dst(%arg5 : memref<1x128xi32, #tpu.memory_space<vmem>>)
      tpu.yield
    }) : () -> ()
    %dma_start3A = arith.constant 0 : i32
    %dma_start3A_5 = arith.constant 0 : i32
    %dma_start3A_6 = tpu.memref_slice %arg5[%dma_start3A, %dma_start3A_5] : memref<1x128xi32, #tpu.memory_space<vmem>> -> memref<1x128xi32, #tpu.memory_space<vmem>>
    %dma_start3A_7 = tpu.memref_squeeze %dma_start3A_6 : memref<1x128xi32, #tpu.memory_space<vmem>> -> memref<128xi32, #tpu.memory_space<vmem>>
    %dma_start3A_8 = arith.constant 0 : i32
    %dma_start3A_9 = arith.constant 0 : i32
    %dma_start3A_10 = tpu.memref_slice %arg3[%dma_start3A_8, %dma_start3A_9] : memref<507904x128xf32, #tpu.memory_space<hbm>> -> memref<507904x128xf32, #tpu.memory_space<hbm>>
    tpu.enqueue_indirect_dma source(%dma_start3A_10 : memref<507904x128xf32, #tpu.memory_space<hbm>>) target(%arg7 : memref<128x128xf32, #tpu.memory_space<vmem>>) offsets(%dma_start3A_7 : memref<128xi32, #tpu.memory_space<vmem>>) semaphore(%arg9 : memref<!tpu.dma_semaphore, #tpu.memory_space<semaphore_mem>>)
    %mul3A_11 = arith.constant 4 : i32
    %mul3A_12 = arith.muli %add3A, %mul3A_11 : i32
    %add3A_13 = arith.constant 1 : i32
    %add3A_14 = arith.addi %mul3A_12, %add3A_13 : i32
    "tpu.region"() ({
      %run_scoped3A = tpu.sem_alloc : memref<!tpu.dma_semaphore, #tpu.memory_space<semaphore_mem>>
      %dma_start3A_87 = arith.constant 0 : i32
      %dma_start3A_88 = tpu.memref_slice %arg2[%add3A_14, %dma_start3A_87] : memref<128x128xi32, #tpu.memory_space<hbm>> -> memref<1x128xi32, #tpu.memory_space<hbm>>
      %dma_start3A_89 = arith.constant 0 : i32
      %dma_start3A_90 = tpu.memref_slice %arg2[%add3A_14, %dma_start3A_89] : memref<128x128xi32, #tpu.memory_space<hbm>> -> memref<1x128xi32, #tpu.memory_space<hbm>>
      tpu.enqueue_dma source(%dma_start3A_90 : memref<1x128xi32, #tpu.memory_space<hbm>>) target(%arg6 : memref<1x128xi32, #tpu.memory_space<vmem>>) target_semaphore(%run_scoped3A : memref<!tpu.dma_semaphore, #tpu.memory_space<semaphore_mem>>)
      %dma_wait3A_91 = arith.constant 0 : i32
      %dma_wait3A_92 = tpu.memref_slice %arg2[%add3A_14, %dma_wait3A_91] : memref<128x128xi32, #tpu.memory_space<hbm>> -> memref<1x128xi32, #tpu.memory_space<hbm>>
      %dma_wait3A_93 = arith.constant 0 : i32
      %dma_wait3A_94 = tpu.memref_slice %arg2[%add3A_14, %dma_wait3A_93] : memref<128x128xi32, #tpu.memory_space<hbm>> -> memref<1x128xi32, #tpu.memory_space<hbm>>
      tpu.wait_dma2 semaphore(%run_scoped3A : memref<!tpu.dma_semaphore, #tpu.memory_space<semaphore_mem>>) src(%dma_wait3A_94 : memref<1x128xi32, #tpu.memory_space<hbm>>) dst(%arg6 : memref<1x128xi32, #tpu.memory_space<vmem>>)
      tpu.yield
    }) : () -> ()
    %dma_start3A_15 = arith.constant 0 : i32
    %dma_start3A_16 = arith.constant 0 : i32
    %dma_start3A_17 = tpu.memref_slice %arg6[%dma_start3A_15, %dma_start3A_16] : memref<1x128xi32, #tpu.memory_space<vmem>> -> memref<1x128xi32, #tpu.memory_space<vmem>>
    %dma_start3A_18 = tpu.memref_squeeze %dma_start3A_17 : memref<1x128xi32, #tpu.memory_space<vmem>> -> memref<128xi32, #tpu.memory_space<vmem>>
    %dma_start3A_19 = arith.constant 0 : i32
    %dma_start3A_20 = arith.constant 0 : i32
    %dma_start3A_21 = tpu.memref_slice %arg3[%dma_start3A_19, %dma_start3A_20] : memref<507904x128xf32, #tpu.memory_space<hbm>> -> memref<507904x128xf32, #tpu.memory_space<hbm>>
    tpu.enqueue_indirect_dma source(%dma_start3A_21 : memref<507904x128xf32, #tpu.memory_space<hbm>>) target(%arg8 : memref<128x128xf32, #tpu.memory_space<vmem>>) offsets(%dma_start3A_18 : memref<128xi32, #tpu.memory_space<vmem>>) semaphore(%arg10 : memref<!tpu.dma_semaphore, #tpu.memory_space<semaphore_mem>>)
    %dma_wait3A = arith.constant 0 : i32
    %dma_wait3A_22 = arith.constant 0 : i32
    %dma_wait3A_23 = tpu.memref_slice %arg5[%dma_wait3A, %dma_wait3A_22] : memref<1x128xi32, #tpu.memory_space<vmem>> -> memref<1x128xi32, #tpu.memory_space<vmem>>
    %dma_wait3A_24 = tpu.memref_squeeze %dma_wait3A_23 : memref<1x128xi32, #tpu.memory_space<vmem>> -> memref<128xi32, #tpu.memory_space<vmem>>
    %dma_wait3A_25 = arith.constant 0 : i32
    %dma_wait3A_26 = arith.constant 0 : i32
    %dma_wait3A_27 = tpu.memref_slice %arg3[%dma_wait3A_25, %dma_wait3A_26] : memref<507904x128xf32, #tpu.memory_space<hbm>> -> memref<507904x128xf32, #tpu.memory_space<hbm>>
    tpu.wait_indirect_dma semaphore(%arg9 : memref<!tpu.dma_semaphore, #tpu.memory_space<semaphore_mem>>) src(%dma_wait3A_27 : memref<507904x128xf32, #tpu.memory_space<hbm>>) dst(%arg7 : memref<128x128xf32, #tpu.memory_space<vmem>>)
    %mul3A_28 = arith.constant 512 : i32
    %mul3A_29 = arith.muli %add3A, %mul3A_28 : i32
    %add3A_30 = arith.constant 0 : i32
    %add3A_31 = arith.addi %mul3A_29, %add3A_30 : i32
    "tpu.region"() ({
      %run_scoped3A = tpu.sem_alloc : memref<!tpu.dma_semaphore, #tpu.memory_space<semaphore_mem>>
      %dma_start3A_87 = arith.constant 0 : i32
      %dma_start3A_88 = tpu.memref_slice %arg4[%add3A_31, %dma_start3A_87] : memref<16384x128xf32, #tpu.memory_space<hbm>> -> memref<128x128xf32, #tpu.memory_space<hbm>>
      %dma_start3A_89 = arith.constant 0 : i32
      %dma_start3A_90 = tpu.memref_slice %arg4[%add3A_31, %dma_start3A_89] : memref<16384x128xf32, #tpu.memory_space<hbm>> -> memref<128x128xf32, #tpu.memory_space<hbm>>
      tpu.enqueue_dma source(%arg7 : memref<128x128xf32, #tpu.memory_space<vmem>>) target(%dma_start3A_90 : memref<128x128xf32, #tpu.memory_space<hbm>>) target_semaphore(%run_scoped3A : memref<!tpu.dma_semaphore, #tpu.memory_space<semaphore_mem>>)
      %dma_wait3A_91 = arith.constant 0 : i32
      %dma_wait3A_92 = tpu.memref_slice %arg4[%add3A_31, %dma_wait3A_91] : memref<16384x128xf32, #tpu.memory_space<hbm>> -> memref<128x128xf32, #tpu.memory_space<hbm>>
      %dma_wait3A_93 = arith.constant 0 : i32
      %dma_wait3A_94 = tpu.memref_slice %arg4[%add3A_31, %dma_wait3A_93] : memref<16384x128xf32, #tpu.memory_space<hbm>> -> memref<128x128xf32, #tpu.memory_space<hbm>>
      tpu.wait_dma2 semaphore(%run_scoped3A : memref<!tpu.dma_semaphore, #tpu.memory_space<semaphore_mem>>) src(%arg7 : memref<128x128xf32, #tpu.memory_space<vmem>>) dst(%dma_wait3A_94 : memref<128x128xf32, #tpu.memory_space<hbm>>)
      tpu.yield
    }) : () -> ()
    %mul3A_32 = arith.constant 4 : i32
    %mul3A_33 = arith.muli %add3A, %mul3A_32 : i32
    %add3A_34 = arith.constant 2 : i32
    %add3A_35 = arith.addi %mul3A_33, %add3A_34 : i32
    "tpu.region"() ({
      %run_scoped3A = tpu.sem_alloc : memref<!tpu.dma_semaphore, #tpu.memory_space<semaphore_mem>>
      %dma_start3A_87 = arith.constant 0 : i32
      %dma_start3A_88 = tpu.memref_slice %arg2[%add3A_35, %dma_start3A_87] : memref<128x128xi32, #tpu.memory_space<hbm>> -> memref<1x128xi32, #tpu.memory_space<hbm>>
      %dma_start3A_89 = arith.constant 0 : i32
      %dma_start3A_90 = tpu.memref_slice %arg2[%add3A_35, %dma_start3A_89] : memref<128x128xi32, #tpu.memory_space<hbm>> -> memref<1x128xi32, #tpu.memory_space<hbm>>
      tpu.enqueue_dma source(%dma_start3A_90 : memref<1x128xi32, #tpu.memory_space<hbm>>) target(%arg5 : memref<1x128xi32, #tpu.memory_space<vmem>>) target_semaphore(%run_scoped3A : memref<!tpu.dma_semaphore, #tpu.memory_space<semaphore_mem>>)
      %dma_wait3A_91 = arith.constant 0 : i32
      %dma_wait3A_92 = tpu.memref_slice %arg2[%add3A_35, %dma_wait3A_91] : memref<128x128xi32, #tpu.memory_space<hbm>> -> memref<1x128xi32, #tpu.memory_space<hbm>>
      %dma_wait3A_93 = arith.constant 0 : i32
      %dma_wait3A_94 = tpu.memref_slice %arg2[%add3A_35, %dma_wait3A_93] : memref<128x128xi32, #tpu.memory_space<hbm>> -> memref<1x128xi32, #tpu.memory_space<hbm>>
      tpu.wait_dma2 semaphore(%run_scoped3A : memref<!tpu.dma_semaphore, #tpu.memory_space<semaphore_mem>>) src(%dma_wait3A_94 : memref<1x128xi32, #tpu.memory_space<hbm>>) dst(%arg5 : memref<1x128xi32, #tpu.memory_space<vmem>>)
      tpu.yield
    }) : () -> ()
    %dma_start3A_36 = arith.constant 0 : i32
    %dma_start3A_37 = arith.constant 0 : i32
    %dma_start3A_38 = tpu.memref_slice %arg5[%dma_start3A_36, %dma_start3A_37] : memref<1x128xi32, #tpu.memory_space<vmem>> -> memref<1x128xi32, #tpu.memory_space<vmem>>
    %dma_start3A_39 = tpu.memref_squeeze %dma_start3A_38 : memref<1x128xi32, #tpu.memory_space<vmem>> -> memref<128xi32, #tpu.memory_space<vmem>>
    %dma_start3A_40 = arith.constant 0 : i32
    %dma_start3A_41 = arith.constant 0 : i32
    %dma_start3A_42 = tpu.memref_slice %arg3[%dma_start3A_40, %dma_start3A_41] : memref<507904x128xf32, #tpu.memory_space<hbm>> -> memref<507904x128xf32, #tpu.memory_space<hbm>>
    tpu.enqueue_indirect_dma source(%dma_start3A_42 : memref<507904x128xf32, #tpu.memory_space<hbm>>) target(%arg7 : memref<128x128xf32, #tpu.memory_space<vmem>>) offsets(%dma_start3A_39 : memref<128xi32, #tpu.memory_space<vmem>>) semaphore(%arg9 : memref<!tpu.dma_semaphore, #tpu.memory_space<semaphore_mem>>)
    %dma_wait3A_43 = arith.constant 0 : i32
    %dma_wait3A_44 = arith.constant 0 : i32
    %dma_wait3A_45 = tpu.memref_slice %arg6[%dma_wait3A_43, %dma_wait3A_44] : memref<1x128xi32, #tpu.memory_space<vmem>> -> memref<1x128xi32, #tpu.memory_space<vmem>>
    %dma_wait3A_46 = tpu.memref_squeeze %dma_wait3A_45 : memref<1x128xi32, #tpu.memory_space<vmem>> -> memref<128xi32, #tpu.memory_space<vmem>>
    %dma_wait3A_47 = arith.constant 0 : i32
    %dma_wait3A_48 = arith.constant 0 : i32
    %dma_wait3A_49 = tpu.memref_slice %arg3[%dma_wait3A_47, %dma_wait3A_48] : memref<507904x128xf32, #tpu.memory_space<hbm>> -> memref<507904x128xf32, #tpu.memory_space<hbm>>
    tpu.wait_indirect_dma semaphore(%arg10 : memref<!tpu.dma_semaphore, #tpu.memory_space<semaphore_mem>>) src(%dma_wait3A_49 : memref<507904x128xf32, #tpu.memory_space<hbm>>) dst(%arg8 : memref<128x128xf32, #tpu.memory_space<vmem>>)
    %mul3A_50 = arith.constant 512 : i32
    %mul3A_51 = arith.muli %add3A, %mul3A_50 : i32
    %add3A_52 = arith.constant 128 : i32
    %add3A_53 = arith.addi %mul3A_51, %add3A_52 : i32
    "tpu.region"() ({
      %run_scoped3A = tpu.sem_alloc : memref<!tpu.dma_semaphore, #tpu.memory_space<semaphore_mem>>
      %dma_start3A_87 = arith.constant 0 : i32
      %dma_start3A_88 = tpu.memref_slice %arg4[%add3A_53, %dma_start3A_87] : memref<16384x128xf32, #tpu.memory_space<hbm>> -> memref<128x128xf32, #tpu.memory_space<hbm>>
      %dma_start3A_89 = arith.constant 0 : i32
      %dma_start3A_90 = tpu.memref_slice %arg4[%add3A_53, %dma_start3A_89] : memref<16384x128xf32, #tpu.memory_space<hbm>> -> memref<128x128xf32, #tpu.memory_space<hbm>>
      tpu.enqueue_dma source(%arg8 : memref<128x128xf32, #tpu.memory_space<vmem>>) target(%dma_start3A_90 : memref<128x128xf32, #tpu.memory_space<hbm>>) target_semaphore(%run_scoped3A : memref<!tpu.dma_semaphore, #tpu.memory_space<semaphore_mem>>)
      %dma_wait3A_91 = arith.constant 0 : i32
      %dma_wait3A_92 = tpu.memref_slice %arg4[%add3A_53, %dma_wait3A_91] : memref<16384x128xf32, #tpu.memory_space<hbm>> -> memref<128x128xf32, #tpu.memory_space<hbm>>
      %dma_wait3A_93 = arith.constant 0 : i32
      %dma_wait3A_94 = tpu.memref_slice %arg4[%add3A_53, %dma_wait3A_93] : memref<16384x128xf32, #tpu.memory_space<hbm>> -> memref<128x128xf32, #tpu.memory_space<hbm>>
      tpu.wait_dma2 semaphore(%run_scoped3A : memref<!tpu.dma_semaphore, #tpu.memory_space<semaphore_mem>>) src(%arg8 : memref<128x128xf32, #tpu.memory_space<vmem>>) dst(%dma_wait3A_94 : memref<128x128xf32, #tpu.memory_space<hbm>>)
      tpu.yield
    }) : () -> ()
    %mul3A_54 = arith.constant 4 : i32
    %mul3A_55 = arith.muli %add3A, %mul3A_54 : i32
    %add3A_56 = arith.constant 3 : i32
    %add3A_57 = arith.addi %mul3A_55, %add3A_56 : i32
    "tpu.region"() ({
      %run_scoped3A = tpu.sem_alloc : memref<!tpu.dma_semaphore, #tpu.memory_space<semaphore_mem>>
      %dma_start3A_87 = arith.constant 0 : i32
      %dma_start3A_88 = tpu.memref_slice %arg2[%add3A_57, %dma_start3A_87] : memref<128x128xi32, #tpu.memory_space<hbm>> -> memref<1x128xi32, #tpu.memory_space<hbm>>
      %dma_start3A_89 = arith.constant 0 : i32
      %dma_start3A_90 = tpu.memref_slice %arg2[%add3A_57, %dma_start3A_89] : memref<128x128xi32, #tpu.memory_space<hbm>> -> memref<1x128xi32, #tpu.memory_space<hbm>>
      tpu.enqueue_dma source(%dma_start3A_90 : memref<1x128xi32, #tpu.memory_space<hbm>>) target(%arg6 : memref<1x128xi32, #tpu.memory_space<vmem>>) target_semaphore(%run_scoped3A : memref<!tpu.dma_semaphore, #tpu.memory_space<semaphore_mem>>)
      %dma_wait3A_91 = arith.constant 0 : i32
      %dma_wait3A_92 = tpu.memref_slice %arg2[%add3A_57, %dma_wait3A_91] : memref<128x128xi32, #tpu.memory_space<hbm>> -> memref<1x128xi32, #tpu.memory_space<hbm>>
      %dma_wait3A_93 = arith.constant 0 : i32
      %dma_wait3A_94 = tpu.memref_slice %arg2[%add3A_57, %dma_wait3A_93] : memref<128x128xi32, #tpu.memory_space<hbm>> -> memref<1x128xi32, #tpu.memory_space<hbm>>
      tpu.wait_dma2 semaphore(%run_scoped3A : memref<!tpu.dma_semaphore, #tpu.memory_space<semaphore_mem>>) src(%dma_wait3A_94 : memref<1x128xi32, #tpu.memory_space<hbm>>) dst(%arg6 : memref<1x128xi32, #tpu.memory_space<vmem>>)
      tpu.yield
    }) : () -> ()
    %dma_start3A_58 = arith.constant 0 : i32
    %dma_start3A_59 = arith.constant 0 : i32
    %dma_start3A_60 = tpu.memref_slice %arg6[%dma_start3A_58, %dma_start3A_59] : memref<1x128xi32, #tpu.memory_space<vmem>> -> memref<1x128xi32, #tpu.memory_space<vmem>>
    %dma_start3A_61 = tpu.memref_squeeze %dma_start3A_60 : memref<1x128xi32, #tpu.memory_space<vmem>> -> memref<128xi32, #tpu.memory_space<vmem>>
    %dma_start3A_62 = arith.constant 0 : i32
    %dma_start3A_63 = arith.constant 0 : i32
    %dma_start3A_64 = tpu.memref_slice %arg3[%dma_start3A_62, %dma_start3A_63] : memref<507904x128xf32, #tpu.memory_space<hbm>> -> memref<507904x128xf32, #tpu.memory_space<hbm>>
    tpu.enqueue_indirect_dma source(%dma_start3A_64 : memref<507904x128xf32, #tpu.memory_space<hbm>>) target(%arg8 : memref<128x128xf32, #tpu.memory_space<vmem>>) offsets(%dma_start3A_61 : memref<128xi32, #tpu.memory_space<vmem>>) semaphore(%arg10 : memref<!tpu.dma_semaphore, #tpu.memory_space<semaphore_mem>>)
    %dma_wait3A_65 = arith.constant 0 : i32
    %dma_wait3A_66 = arith.constant 0 : i32
    %dma_wait3A_67 = tpu.memref_slice %arg5[%dma_wait3A_65, %dma_wait3A_66] : memref<1x128xi32, #tpu.memory_space<vmem>> -> memref<1x128xi32, #tpu.memory_space<vmem>>
    %dma_wait3A_68 = tpu.memref_squeeze %dma_wait3A_67 : memref<1x128xi32, #tpu.memory_space<vmem>> -> memref<128xi32, #tpu.memory_space<vmem>>
    %dma_wait3A_69 = arith.constant 0 : i32
    %dma_wait3A_70 = arith.constant 0 : i32
    %dma_wait3A_71 = tpu.memref_slice %arg3[%dma_wait3A_69, %dma_wait3A_70] : memref<507904x128xf32, #tpu.memory_space<hbm>> -> memref<507904x128xf32, #tpu.memory_space<hbm>>
    tpu.wait_indirect_dma semaphore(%arg9 : memref<!tpu.dma_semaphore, #tpu.memory_space<semaphore_mem>>) src(%dma_wait3A_71 : memref<507904x128xf32, #tpu.memory_space<hbm>>) dst(%arg7 : memref<128x128xf32, #tpu.memory_space<vmem>>)
    %mul3A_72 = arith.constant 512 : i32
    %mul3A_73 = arith.muli %add3A, %mul3A_72 : i32
    %add3A_74 = arith.constant 256 : i32
    %add3A_75 = arith.addi %mul3A_73, %add3A_74 : i32
    "tpu.region"() ({
      %run_scoped3A = tpu.sem_alloc : memref<!tpu.dma_semaphore, #tpu.memory_space<semaphore_mem>>
      %dma_start3A_87 = arith.constant 0 : i32
      %dma_start3A_88 = tpu.memref_slice %arg4[%add3A_75, %dma_start3A_87] : memref<16384x128xf32, #tpu.memory_space<hbm>> -> memref<128x128xf32, #tpu.memory_space<hbm>>
      %dma_start3A_89 = arith.constant 0 : i32
      %dma_start3A_90 = tpu.memref_slice %arg4[%add3A_75, %dma_start3A_89] : memref<16384x128xf32, #tpu.memory_space<hbm>> -> memref<128x128xf32, #tpu.memory_space<hbm>>
      tpu.enqueue_dma source(%arg7 : memref<128x128xf32, #tpu.memory_space<vmem>>) target(%dma_start3A_90 : memref<128x128xf32, #tpu.memory_space<hbm>>) target_semaphore(%run_scoped3A : memref<!tpu.dma_semaphore, #tpu.memory_space<semaphore_mem>>)
      %dma_wait3A_91 = arith.constant 0 : i32
      %dma_wait3A_92 = tpu.memref_slice %arg4[%add3A_75, %dma_wait3A_91] : memref<16384x128xf32, #tpu.memory_space<hbm>> -> memref<128x128xf32, #tpu.memory_space<hbm>>
      %dma_wait3A_93 = arith.constant 0 : i32
      %dma_wait3A_94 = tpu.memref_slice %arg4[%add3A_75, %dma_wait3A_93] : memref<16384x128xf32, #tpu.memory_space<hbm>> -> memref<128x128xf32, #tpu.memory_space<hbm>>
      tpu.wait_dma2 semaphore(%run_scoped3A : memref<!tpu.dma_semaphore, #tpu.memory_space<semaphore_mem>>) src(%arg7 : memref<128x128xf32, #tpu.memory_space<vmem>>) dst(%dma_wait3A_94 : memref<128x128xf32, #tpu.memory_space<hbm>>)
      tpu.yield
    }) : () -> ()
    %dma_wait3A_76 = arith.constant 0 : i32
    %dma_wait3A_77 = arith.constant 0 : i32
    %dma_wait3A_78 = tpu.memref_slice %arg6[%dma_wait3A_76, %dma_wait3A_77] : memref<1x128xi32, #tpu.memory_space<vmem>> -> memref<1x128xi32, #tpu.memory_space<vmem>>
    %dma_wait3A_79 = tpu.memref_squeeze %dma_wait3A_78 : memref<1x128xi32, #tpu.memory_space<vmem>> -> memref<128xi32, #tpu.memory_space<vmem>>
    %dma_wait3A_80 = arith.constant 0 : i32
    %dma_wait3A_81 = arith.constant 0 : i32
    %dma_wait3A_82 = tpu.memref_slice %arg3[%dma_wait3A_80, %dma_wait3A_81] : memref<507904x128xf32, #tpu.memory_space<hbm>> -> memref<507904x128xf32, #tpu.memory_space<hbm>>
    tpu.wait_indirect_dma semaphore(%arg10 : memref<!tpu.dma_semaphore, #tpu.memory_space<semaphore_mem>>) src(%dma_wait3A_82 : memref<507904x128xf32, #tpu.memory_space<hbm>>) dst(%arg8 : memref<128x128xf32, #tpu.memory_space<vmem>>)
    %mul3A_83 = arith.constant 512 : i32
    %mul3A_84 = arith.muli %add3A, %mul3A_83 : i32
    %add3A_85 = arith.constant 384 : i32
    %add3A_86 = arith.addi %mul3A_84, %add3A_85 : i32
    "tpu.region"() ({
      %run_scoped3A = tpu.sem_alloc : memref<!tpu.dma_semaphore, #tpu.memory_space<semaphore_mem>>
      %dma_start3A_87 = arith.constant 0 : i32
      %dma_start3A_88 = tpu.memref_slice %arg4[%add3A_86, %dma_start3A_87] : memref<16384x128xf32, #tpu.memory_space<hbm>> -> memref<128x128xf32, #tpu.memory_space<hbm>>
      %dma_start3A_89 = arith.constant 0 : i32
      %dma_start3A_90 = tpu.memref_slice %arg4[%add3A_86, %dma_start3A_89] : memref<16384x128xf32, #tpu.memory_space<hbm>> -> memref<128x128xf32, #tpu.memory_space<hbm>>
      tpu.enqueue_dma source(%arg8 : memref<128x128xf32, #tpu.memory_space<vmem>>) target(%dma_start3A_90 : memref<128x128xf32, #tpu.memory_space<hbm>>) target_semaphore(%run_scoped3A : memref<!tpu.dma_semaphore, #tpu.memory_space<semaphore_mem>>)
      %dma_wait3A_91 = arith.constant 0 : i32
      %dma_wait3A_92 = tpu.memref_slice %arg4[%add3A_86, %dma_wait3A_91] : memref<16384x128xf32, #tpu.memory_space<hbm>> -> memref<128x128xf32, #tpu.memory_space<hbm>>
      %dma_wait3A_93 = arith.constant 0 : i32
      %dma_wait3A_94 = tpu.memref_slice %arg4[%add3A_86, %dma_wait3A_93] : memref<16384x128xf32, #tpu.memory_space<hbm>> -> memref<128x128xf32, #tpu.memory_space<hbm>>
      tpu.wait_dma2 semaphore(%run_scoped3A : memref<!tpu.dma_semaphore, #tpu.memory_space<semaphore_mem>>) src(%arg8 : memref<128x128xf32, #tpu.memory_space<vmem>>) dst(%dma_wait3A_94 : memref<128x128xf32, #tpu.memory_space<hbm>>)
      tpu.yield
    }) : () -> ()
    return
  }
}

module attributes {stable_mosaic.version = 14 : i64} {
  func.func @_repackT_body(%arg0: i32, %arg1: memref<32x8192xf32, #tpu.memory_space<vmem>>, %arg2: memref<32x8192xf32, #tpu.memory_space<vmem>>, %arg3: memref<32x8192xf32, #tpu.memory_space<vmem>>, %arg4: memref<32x8192xf32, #tpu.memory_space<vmem>>, %arg5: memref<8192x128xf32, #tpu.memory_space<vmem>>) attributes {dimension_semantics = [#tpu.dimension_semantics<parallel>], iteration_bounds = array<i64: 31>, scalar_prefetch = 0 : i64, scratch_operands = 0 : i64, tpu.core_type = #tpu.core_type<tc>, window_params = [{transform_indices = @transform_0, window_bounds = array<i64: 32, 8192>}, {transform_indices = @transform_1, window_bounds = array<i64: 32, 8192>}, {transform_indices = @transform_2, window_bounds = array<i64: 32, 8192>}, {transform_indices = @transform_3, window_bounds = array<i64: 32, 8192>}, {transform_indices = @transform_4, window_bounds = array<i64: 8192, 128>}]} {
    %get3A = arith.constant 0 : index
    %get3A_0 = arith.constant 0 : index
    %get3A_1 = vector.load %arg1[%get3A, %get3A_0] : memref<32x8192xf32, #tpu.memory_space<vmem>>, vector<32x8192xf32>
    %get3A_2 = arith.constant 0 : index
    %get3A_3 = arith.constant 0 : index
    %get3A_4 = vector.load %arg2[%get3A_2, %get3A_3] : memref<32x8192xf32, #tpu.memory_space<vmem>>, vector<32x8192xf32>
    %get3A_5 = arith.constant 0 : index
    %get3A_6 = arith.constant 0 : index
    %get3A_7 = vector.load %arg3[%get3A_5, %get3A_6] : memref<32x8192xf32, #tpu.memory_space<vmem>>, vector<32x8192xf32>
    %get3A_8 = arith.constant 0 : index
    %get3A_9 = arith.constant 0 : index
    %get3A_10 = vector.load %arg4[%get3A_8, %get3A_9] : memref<32x8192xf32, #tpu.memory_space<vmem>>, vector<32x8192xf32>
    %concatenate3A = tpu.concatenate %get3A_1, %get3A_4, %get3A_7, %get3A_10 in 0 : vector<32x8192xf32>, vector<32x8192xf32>, vector<32x8192xf32>, vector<32x8192xf32> -> vector<128x8192xf32>
    %transpose3A = tpu.transpose %concatenate3A, [1, 0] : vector<128x8192xf32> -> vector<8192x128xf32>
    %swap3A = arith.constant 0 : index
    %swap3A_11 = arith.constant 0 : index
    %swap3A_12 = vector.load %arg5[%swap3A, %swap3A_11] : memref<8192x128xf32, #tpu.memory_space<vmem>>, vector<8192x128xf32>
    tpu.vector_store %arg5[%swap3A, %swap3A_11], %transpose3A {strides = array<i32>} : memref<8192x128xf32, #tpu.memory_space<vmem>>, vector<8192x128xf32>,
    return
  }
  func.func @transform_0(%arg0: i32) -> (i32, i32) {
    %add3A = arith.constant 0 : i32
    %add3A_0 = arith.addi %arg0, %add3A : i32
    %min3A = arith.constant 122 : i32
    %min3A_1 = arith.minsi %add3A_0, %min3A : i32
    %c0_i32 = arith.constant 0 : i32
    %c0_i32_2 = arith.constant 0 : i32
    return %c0_i32, %min3A_1 : i32, i32
  }
  func.func @transform_1(%arg0: i32) -> (i32, i32) {
    %add3A = arith.constant 31 : i32
    %add3A_0 = arith.addi %arg0, %add3A : i32
    %min3A = arith.constant 122 : i32
    %min3A_1 = arith.minsi %add3A_0, %min3A : i32
    %c0_i32 = arith.constant 0 : i32
    %c0_i32_2 = arith.constant 0 : i32
    return %c0_i32, %min3A_1 : i32, i32
  }
  func.func @transform_2(%arg0: i32) -> (i32, i32) {
    %add3A = arith.constant 62 : i32
    %add3A_0 = arith.addi %arg0, %add3A : i32
    %min3A = arith.constant 122 : i32
    %min3A_1 = arith.minsi %add3A_0, %min3A : i32
    %c0_i32 = arith.constant 0 : i32
    %c0_i32_2 = arith.constant 0 : i32
    return %c0_i32, %min3A_1 : i32, i32
  }
  func.func @transform_3(%arg0: i32) -> (i32, i32) {
    %add3A = arith.constant 93 : i32
    %add3A_0 = arith.addi %arg0, %add3A : i32
    %min3A = arith.constant 122 : i32
    %min3A_1 = arith.minsi %add3A_0, %min3A : i32
    %c0_i32 = arith.constant 0 : i32
    %c0_i32_2 = arith.constant 0 : i32
    return %c0_i32, %min3A_1 : i32, i32
  }
  func.func @transform_4(%arg0: i32) -> (i32, i32) {
    %c0_i32 = arith.constant 0 : i32
    %c0_i32_0 = arith.constant 0 : i32
    return %arg0, %c0_i32 : i32, i32
  }
}

module attributes {stable_mosaic.version = 14 : i64} {
  func.func @_repackT_body(%arg0: i32, %arg1: memref<64x16384xf32, #tpu.memory_space<vmem>>, %arg2: memref<64x16384xf32, #tpu.memory_space<vmem>>, %arg3: memref<16384x128xf32, #tpu.memory_space<vmem>>) attributes {dimension_semantics = [#tpu.dimension_semantics<parallel>], iteration_bounds = array<i64: 31>, scalar_prefetch = 0 : i64, scratch_operands = 0 : i64, tpu.core_type = #tpu.core_type<tc>, window_params = [{transform_indices = @transform_0, window_bounds = array<i64: 64, 16384>}, {transform_indices = @transform_1, window_bounds = array<i64: 64, 16384>}, {transform_indices = @transform_2, window_bounds = array<i64: 16384, 128>}]} {
    %get3A = arith.constant 0 : index
    %get3A_0 = arith.constant 0 : index
    %get3A_1 = vector.load %arg1[%get3A, %get3A_0] : memref<64x16384xf32, #tpu.memory_space<vmem>>, vector<64x16384xf32>
    %get3A_2 = arith.constant 0 : index
    %get3A_3 = arith.constant 0 : index
    %get3A_4 = vector.load %arg2[%get3A_2, %get3A_3] : memref<64x16384xf32, #tpu.memory_space<vmem>>, vector<64x16384xf32>
    %concatenate3A = tpu.concatenate %get3A_1, %get3A_4 in 0 : vector<64x16384xf32>, vector<64x16384xf32> -> vector<128x16384xf32>
    %transpose3A = tpu.transpose %concatenate3A, [1, 0] : vector<128x16384xf32> -> vector<16384x128xf32>
    %swap3A = arith.constant 0 : index
    %swap3A_5 = arith.constant 0 : index
    %swap3A_6 = vector.load %arg3[%swap3A, %swap3A_5] : memref<16384x128xf32, #tpu.memory_space<vmem>>, vector<16384x128xf32>
    tpu.vector_store %arg3[%swap3A, %swap3A_5], %transpose3A {strides = array<i32>} : memref<16384x128xf32, #tpu.memory_space<vmem>>, vector<16384x128xf32>,
    return
  }
  func.func @transform_0(%arg0: i32) -> (i32, i32) {
    %add3A = arith.constant 0 : i32
    %add3A_0 = arith.addi %arg0, %add3A : i32
    %min3A = arith.constant 61 : i32
    %min3A_1 = arith.minsi %add3A_0, %min3A : i32
    %c0_i32 = arith.constant 0 : i32
    %c0_i32_2 = arith.constant 0 : i32
    return %c0_i32, %min3A_1 : i32, i32
  }
  func.func @transform_1(%arg0: i32) -> (i32, i32) {
    %add3A = arith.constant 31 : i32
    %add3A_0 = arith.addi %arg0, %add3A : i32
    %min3A = arith.constant 61 : i32
    %min3A_1 = arith.minsi %add3A_0, %min3A : i32
    %c0_i32 = arith.constant 0 : i32
    %c0_i32_2 = arith.constant 0 : i32
    return %c0_i32, %min3A_1 : i32, i32
  }
  func.func @transform_2(%arg0: i32) -> (i32, i32) {
    %c0_i32 = arith.constant 0 : i32
    %c0_i32_0 = arith.constant 0 : i32
    return %arg0, %c0_i32 : i32, i32
  }
}

module attributes {stable_mosaic.version = 14 : i64} {
  func.func @_mlp_body(%arg0: i32, %arg1: memref<2048x9xf32, #tpu.memory_space<vmem>>, %arg2: memref<2048x128xf32, #tpu.memory_space<vmem>>, %arg3: memref<2048x128xf32, #tpu.memory_space<vmem>>, %arg4: memref<2048x128xf32, #tpu.memory_space<vmem>>, %arg5: memref<2048x1xi32, #tpu.memory_space<vmem>>, %arg6: memref<2048x1xi32, #tpu.memory_space<vmem>>, %arg7: memref<2048x1xi32, #tpu.memory_space<vmem>>, %arg8: memref<9x256xf32, #tpu.memory_space<vmem>>, %arg9: memref<128x256xf32, #tpu.memory_space<vmem>>, %arg10: memref<128x256xf32, #tpu.memory_space<vmem>>, %arg11: memref<128x256xf32, #tpu.memory_space<vmem>>, %arg12: memref<1x256xf32, #tpu.memory_space<vmem>>, %arg13: memref<256x128xf32, #tpu.memory_space<vmem>>, %arg14: memref<1x128xf32, #tpu.memory_space<vmem>>, %arg15: memref<2048x128xf32, #tpu.memory_space<vmem>>) attributes {dimension_semantics = [#tpu.dimension_semantics<arbitrary>], iteration_bounds = array<i64: 8>, scalar_prefetch = 0 : i64, scratch_operands = 0 : i64, tpu.core_type = #tpu.core_type<tc>, window_params = [{transform_indices = @transform_0, window_bounds = array<i64: 2048, 9>}, {transform_indices = @transform_1, window_bounds = array<i64: 2048, 128>}, {transform_indices = @transform_2, window_bounds = array<i64: 2048, 128>}, {transform_indices = @transform_3, window_bounds = array<i64: 2048, 128>}, {transform_indices = @transform_4, window_bounds = array<i64: 2048, 1>}, {transform_indices = @transform_5, window_bounds = array<i64: 2048, 1>}, {transform_indices = @transform_6, window_bounds = array<i64: 2048, 1>}, {pipeline_mode = #tpu.pipeline_mode<synchronous>, transform_indices = @transform_7, window_bounds = array<i64: 9, 256>}, {pipeline_mode = #tpu.pipeline_mode<synchronous>, transform_indices = @transform_8, window_bounds = array<i64: 128, 256>}, {pipeline_mode = #tpu.pipeline_mode<synchronous>, transform_indices = @transform_9, window_bounds = array<i64: 128, 256>}, {pipeline_mode = #tpu.pipeline_mode<synchronous>, transform_indices = @transform_10, window_bounds = array<i64: 128, 256>}, {pipeline_mode = #tpu.pipeline_mode<synchronous>, transform_indices = @transform_11, window_bounds = array<i64: 1, 256>}, {pipeline_mode = #tpu.pipeline_mode<synchronous>, transform_indices = @transform_12, window_bounds = array<i64: 256, 128>}, {pipeline_mode = #tpu.pipeline_mode<synchronous>, transform_indices = @transform_13, window_bounds = array<i64: 1, 128>}, {transform_indices = @transform_14, window_bounds = array<i64: 2048, 128>}]} {
    %get3A = arith.constant 0 : index
    %get3A_0 = arith.constant 0 : index
    %get3A_1 = vector.load %arg2[%get3A, %get3A_0] : memref<2048x128xf32, #tpu.memory_space<vmem>>, vector<2048x128xf32>
    %get3A_2 = arith.constant 0 : index
    %get3A_3 = arith.constant 0 : index
    %get3A_4 = vector.load %arg5[%get3A_2, %get3A_3] : memref<2048x1xi32, #tpu.memory_space<vmem>>, vector<2048x1xi32>
    %iota3A = tpu.iota {dimensions = array<i32: 1>} : vector<1x128xi32>
    %jit3A = arith.constant 64 : i32
    %div3A = vector.broadcast %jit3A : i32 to vector<1x128xi32>
    %div3A_5 = arith.divsi %iota3A, %div3A : vector<1x128xi32>
    %sign3A = arith.constant 0 : i32
    %sign3A_6 = vector.broadcast %sign3A : i32 to vector<1x128xi32>
    %sign3A_7 = arith.cmpi sgt, %iota3A, %sign3A_6 : vector<1x128xi32>
    %sign3A_8 = arith.extui %sign3A_7 : vector<1x128xi1> to vector<1x128xi32>
    %sign3A_9 = arith.constant 0 : i32
    %sign3A_10 = vector.broadcast %sign3A_9 : i32 to vector<1x128xi32>
    %sign3A_11 = arith.cmpi slt, %iota3A, %sign3A_10 : vector<1x128xi32>
    %sign3A_12 = arith.extui %sign3A_11 : vector<1x128xi1> to vector<1x128xi32>
    %sign3A_13 = arith.subi %sign3A_8, %sign3A_12 : vector<1x128xi32>
    %sign3A_14 = arith.constant 0 : i32
    %sign3A_15 = arith.cmpi sgt, %jit3A, %sign3A_14 : i32
    %sign3A_16 = arith.extui %sign3A_15 : i1 to i32
    %sign3A_17 = arith.constant 0 : i32
    %sign3A_18 = arith.cmpi slt, %jit3A, %sign3A_17 : i32
    %sign3A_19 = arith.extui %sign3A_18 : i1 to i32
    %sign3A_20 = arith.subi %sign3A_16, %sign3A_19 : i32
    %ne3A = vector.broadcast %sign3A_20 : i32 to vector<1x128xi32>
    %ne3A_21 = arith.cmpi ne, %sign3A_13, %ne3A : vector<1x128xi32>
    %rem3A = vector.broadcast %jit3A : i32 to vector<1x128xi32>
    %rem3A_22 = arith.remsi %iota3A, %rem3A : vector<1x128xi32>
    %ne3A_23 = arith.constant 0 : i32
    %ne3A_24 = vector.broadcast %ne3A_23 : i32 to vector<1x128xi32>
    %ne3A_25 = arith.cmpi ne, %rem3A_22, %ne3A_24 : vector<1x128xi32>
    %and3A = arith.andi %ne3A_21, %ne3A_25 : vector<1x128xi1>
    %sub3A = arith.constant 1 : i32
    %sub3A_26 = vector.broadcast %sub3A : i32 to vector<1x128xi32>
    %sub3A_27 = arith.subi %div3A_5, %sub3A_26 : vector<1x128xi32>
    %select_n3A = arith.select %and3A, %sub3A_27, %div3A_5 : vector<1x128xi1>, vector<1x128xi32>
    %eq3A = vector.broadcast %get3A_4 : vector<2048x1xi32> to vector<2048x128xi32>
    %eq3A_28 = vector.broadcast %select_n3A : vector<1x128xi32> to vector<2048x128xi32>
    %eq3A_29 = arith.cmpi eq, %eq3A, %eq3A_28 : vector<2048x128xi32>
    %jit3A_30 = arith.constant 0.000000e+00 : f32
    %broadcast_in_dim3A = vector.broadcast %jit3A_30 : f32 to vector<2048x128xf32>
    %select_n3A_31 = arith.select %eq3A_29, %get3A_1, %broadcast_in_dim3A : vector<2048x128xi1>, vector<2048x128xf32>
    %get3A_32 = arith.constant 0 : index
    %get3A_33 = arith.constant 0 : index
    %get3A_34 = vector.load %arg3[%get3A_32, %get3A_33] : memref<2048x128xf32, #tpu.memory_space<vmem>>, vector<2048x128xf32>
    %get3A_35 = arith.constant 0 : index
    %get3A_36 = arith.constant 0 : index
    %get3A_37 = vector.load %arg6[%get3A_35, %get3A_36] : memref<2048x1xi32, #tpu.memory_space<vmem>>, vector<2048x1xi32>
    %iota3A_38 = tpu.iota {dimensions = array<i32: 1>} : vector<1x128xi32>
    %jit3A_39 = arith.constant 32 : i32
    %div3A_40 = vector.broadcast %jit3A_39 : i32 to vector<1x128xi32>
    %div3A_41 = arith.divsi %iota3A_38, %div3A_40 : vector<1x128xi32>
    %sign3A_42 = arith.constant 0 : i32
    %sign3A_43 = vector.broadcast %sign3A_42 : i32 to vector<1x128xi32>
    %sign3A_44 = arith.cmpi sgt, %iota3A_38, %sign3A_43 : vector<1x128xi32>
    %sign3A_45 = arith.extui %sign3A_44 : vector<1x128xi1> to vector<1x128xi32>
    %sign3A_46 = arith.constant 0 : i32
    %sign3A_47 = vector.broadcast %sign3A_46 : i32 to vector<1x128xi32>
    %sign3A_48 = arith.cmpi slt, %iota3A_38, %sign3A_47 : vector<1x128xi32>
    %sign3A_49 = arith.extui %sign3A_48 : vector<1x128xi1> to vector<1x128xi32>
    %sign3A_50 = arith.subi %sign3A_45, %sign3A_49 : vector<1x128xi32>
    %sign3A_51 = arith.constant 0 : i32
    %sign3A_52 = arith.cmpi sgt, %jit3A_39, %sign3A_51 : i32
    %sign3A_53 = arith.extui %sign3A_52 : i1 to i32
    %sign3A_54 = arith.constant 0 : i32
    %sign3A_55 = arith.cmpi slt, %jit3A_39, %sign3A_54 : i32
    %sign3A_56 = arith.extui %sign3A_55 : i1 to i32
    %sign3A_57 = arith.subi %sign3A_53, %sign3A_56 : i32
    %ne3A_58 = vector.broadcast %sign3A_57 : i32 to vector<1x128xi32>
    %ne3A_59 = arith.cmpi ne, %sign3A_50, %ne3A_58 : vector<1x128xi32>
    %rem3A_60 = vector.broadcast %jit3A_39 : i32 to vector<1x128xi32>
    %rem3A_61 = arith.remsi %iota3A_38, %rem3A_60 : vector<1x128xi32>
    %ne3A_62 = arith.constant 0 : i32
    %ne3A_63 = vector.broadcast %ne3A_62 : i32 to vector<1x128xi32>
    %ne3A_64 = arith.cmpi ne, %rem3A_61, %ne3A_63 : vector<1x128xi32>
    %and3A_65 = arith.andi %ne3A_59, %ne3A_64 : vector<1x128xi1>
    %sub3A_66 = arith.constant 1 : i32
    %sub3A_67 = vector.broadcast %sub3A_66 : i32 to vector<1x128xi32>
    %sub3A_68 = arith.subi %div3A_41, %sub3A_67 : vector<1x128xi32>
    %select_n3A_69 = arith.select %and3A_65, %sub3A_68, %div3A_41 : vector<1x128xi1>, vector<1x128xi32>
    %eq3A_70 = vector.broadcast %get3A_37 : vector<2048x1xi32> to vector<2048x128xi32>
    %eq3A_71 = vector.broadcast %select_n3A_69 : vector<1x128xi32> to vector<2048x128xi32>
    %eq3A_72 = arith.cmpi eq, %eq3A_70, %eq3A_71 : vector<2048x128xi32>
    %jit3A_73 = arith.constant 0.000000e+00 : f32
    %broadcast_in_dim3A_74 = vector.broadcast %jit3A_73 : f32 to vector<2048x128xf32>
    %select_n3A_75 = arith.select %eq3A_72, %get3A_34, %broadcast_in_dim3A_74 : vector<2048x128xi1>, vector<2048x128xf32>
    %get3A_76 = arith.constant 0 : index
    %get3A_77 = arith.constant 0 : index
    %get3A_78 = vector.load %arg4[%get3A_76, %get3A_77] : memref<2048x128xf32, #tpu.memory_space<vmem>>, vector<2048x128xf32>
    %get3A_79 = arith.constant 0 : index
    %get3A_80 = arith.constant 0 : index
    %get3A_81 = vector.load %arg7[%get3A_79, %get3A_80] : memref<2048x1xi32, #tpu.memory_space<vmem>>, vector<2048x1xi32>
    %iota3A_82 = tpu.iota {dimensions = array<i32: 1>} : vector<1x128xi32>
    %jit3A_83 = arith.constant 16 : i32
    %div3A_84 = vector.broadcast %jit3A_83 : i32 to vector<1x128xi32>
    %div3A_85 = arith.divsi %iota3A_82, %div3A_84 : vector<1x128xi32>
    %sign3A_86 = arith.constant 0 : i32
    %sign3A_87 = vector.broadcast %sign3A_86 : i32 to vector<1x128xi32>
    %sign3A_88 = arith.cmpi sgt, %iota3A_82, %sign3A_87 : vector<1x128xi32>
    %sign3A_89 = arith.extui %sign3A_88 : vector<1x128xi1> to vector<1x128xi32>
    %sign3A_90 = arith.constant 0 : i32
    %sign3A_91 = vector.broadcast %sign3A_90 : i32 to vector<1x128xi32>
    %sign3A_92 = arith.cmpi slt, %iota3A_82, %sign3A_91 : vector<1x128xi32>
    %sign3A_93 = arith.extui %sign3A_92 : vector<1x128xi1> to vector<1x128xi32>
    %sign3A_94 = arith.subi %sign3A_89, %sign3A_93 : vector<1x128xi32>
    %sign3A_95 = arith.constant 0 : i32
    %sign3A_96 = arith.cmpi sgt, %jit3A_83, %sign3A_95 : i32
    %sign3A_97 = arith.extui %sign3A_96 : i1 to i32
    %sign3A_98 = arith.constant 0 : i32
    %sign3A_99 = arith.cmpi slt, %jit3A_83, %sign3A_98 : i32
    %sign3A_100 = arith.extui %sign3A_99 : i1 to i32
    %sign3A_101 = arith.subi %sign3A_97, %sign3A_100 : i32
    %ne3A_102 = vector.broadcast %sign3A_101 : i32 to vector<1x128xi32>
    %ne3A_103 = arith.cmpi ne, %sign3A_94, %ne3A_102 : vector<1x128xi32>
    %rem3A_104 = vector.broadcast %jit3A_83 : i32 to vector<1x128xi32>
    %rem3A_105 = arith.remsi %iota3A_82, %rem3A_104 : vector<1x128xi32>
    %ne3A_106 = arith.constant 0 : i32
    %ne3A_107 = vector.broadcast %ne3A_106 : i32 to vector<1x128xi32>
    %ne3A_108 = arith.cmpi ne, %rem3A_105, %ne3A_107 : vector<1x128xi32>
    %and3A_109 = arith.andi %ne3A_103, %ne3A_108 : vector<1x128xi1>
    %sub3A_110 = arith.constant 1 : i32
    %sub3A_111 = vector.broadcast %sub3A_110 : i32 to vector<1x128xi32>
    %sub3A_112 = arith.subi %div3A_85, %sub3A_111 : vector<1x128xi32>
    %select_n3A_113 = arith.select %and3A_109, %sub3A_112, %div3A_85 : vector<1x128xi1>, vector<1x128xi32>
    %eq3A_114 = vector.broadcast %get3A_81 : vector<2048x1xi32> to vector<2048x128xi32>
    %eq3A_115 = vector.broadcast %select_n3A_113 : vector<1x128xi32> to vector<2048x128xi32>
    %eq3A_116 = arith.cmpi eq, %eq3A_114, %eq3A_115 : vector<2048x128xi32>
    %jit3A_117 = arith.constant 0.000000e+00 : f32
    %broadcast_in_dim3A_118 = vector.broadcast %jit3A_117 : f32 to vector<2048x128xf32>
    %select_n3A_119 = arith.select %eq3A_116, %get3A_78, %broadcast_in_dim3A_118 : vector<2048x128xi1>, vector<2048x128xf32>
    %get3A_120 = arith.constant 0 : index
    %get3A_121 = arith.constant 0 : index
    %get3A_122 = vector.load %arg1[%get3A_120, %get3A_121] : memref<2048x9xf32, #tpu.memory_space<vmem>>, vector<2048x9xf32>
    %get3A_123 = arith.constant 0 : index
    %get3A_124 = arith.constant 0 : index
    %get3A_125 = vector.load %arg8[%get3A_123, %get3A_124] : memref<9x256xf32, #tpu.memory_space<vmem>>, vector<9x256xf32>
    %dot_general3A = arith.constant dense<0.000000e+00> : vector<2048x256xf32>
    %dot_general3A_126 = tpu.matmul %get3A_122, %get3A_125, %dot_general3A {dimension_numbers = #tpu.dot_dimension_numbers<[1], [0], [0], [1], [0, 0, 1, 1], [], []>, transpose_lhs_hint = false} : vector<2048x9xf32>, vector<9x256xf32>, vector<2048x256xf32> -> vector<2048x256xf32>
    %get3A_127 = arith.constant 0 : index
    %get3A_128 = arith.constant 0 : index
    %get3A_129 = vector.load %arg9[%get3A_127, %get3A_128] : memref<128x256xf32, #tpu.memory_space<vmem>>, vector<128x256xf32>
    %dot_general3A_130 = arith.constant dense<0.000000e+00> : vector<2048x256xf32>
    %dot_general3A_131 = tpu.matmul %select_n3A_31, %get3A_129, %dot_general3A_130 {dimension_numbers = #tpu.dot_dimension_numbers<[1], [0], [0], [1], [0, 0, 1, 1], [], []>, transpose_lhs_hint = false} : vector<2048x128xf32>, vector<128x256xf32>, vector<2048x256xf32> -> vector<2048x256xf32>
    %add3A = arith.addf %dot_general3A_126, %dot_general3A_131 : vector<2048x256xf32>
    %get3A_132 = arith.constant 0 : index
    %get3A_133 = arith.constant 0 : index
    %get3A_134 = vector.load %arg10[%get3A_132, %get3A_133] : memref<128x256xf32, #tpu.memory_space<vmem>>, vector<128x256xf32>
    %dot_general3A_135 = arith.constant dense<0.000000e+00> : vector<2048x256xf32>
    %dot_general3A_136 = tpu.matmul %select_n3A_75, %get3A_134, %dot_general3A_135 {dimension_numbers = #tpu.dot_dimension_numbers<[1], [0], [0], [1], [0, 0, 1, 1], [], []>, transpose_lhs_hint = false} : vector<2048x128xf32>, vector<128x256xf32>, vector<2048x256xf32> -> vector<2048x256xf32>
    %add3A_137 = arith.addf %add3A, %dot_general3A_136 : vector<2048x256xf32>
    %get3A_138 = arith.constant 0 : index
    %get3A_139 = arith.constant 0 : index
    %get3A_140 = vector.load %arg11[%get3A_138, %get3A_139] : memref<128x256xf32, #tpu.memory_space<vmem>>, vector<128x256xf32>
    %dot_general3A_141 = arith.constant dense<0.000000e+00> : vector<2048x256xf32>
    %dot_general3A_142 = tpu.matmul %select_n3A_119, %get3A_140, %dot_general3A_141 {dimension_numbers = #tpu.dot_dimension_numbers<[1], [0], [0], [1], [0, 0, 1, 1], [], []>, transpose_lhs_hint = false} : vector<2048x128xf32>, vector<128x256xf32>, vector<2048x256xf32> -> vector<2048x256xf32>
    %add3A_143 = arith.addf %add3A_137, %dot_general3A_142 : vector<2048x256xf32>
    %get3A_144 = arith.constant 0 : index
    %get3A_145 = arith.constant 0 : index
    %get3A_146 = vector.load %arg12[%get3A_144, %get3A_145] : memref<1x256xf32, #tpu.memory_space<vmem>>, vector<1x256xf32>
    %add3A_147 = vector.broadcast %get3A_146 : vector<1x256xf32> to vector<2048x256xf32>
    %add3A_148 = arith.addf %add3A_143, %add3A_147 : vector<2048x256xf32>
    %max3A = arith.constant 0.000000e+00 : f32
    %max3A_149 = vector.broadcast %max3A : f32 to vector<2048x256xf32>
    %max3A_150 = arith.maximumf %add3A_148, %max3A_149 : vector<2048x256xf32>
    %get3A_151 = arith.constant 0 : index
    %get3A_152 = arith.constant 0 : index
    %get3A_153 = vector.load %arg13[%get3A_151, %get3A_152] : memref<256x128xf32, #tpu.memory_space<vmem>>, vector<256x128xf32>
    %dot_general3A_154 = arith.constant dense<0.000000e+00> : vector<2048x128xf32>
    %dot_general3A_155 = tpu.matmul %max3A_150, %get3A_153, %dot_general3A_154 {dimension_numbers = #tpu.dot_dimension_numbers<[1], [0], [0], [1], [0, 0, 1, 1], [], []>, transpose_lhs_hint = false} : vector<2048x256xf32>, vector<256x128xf32>, vector<2048x128xf32> -> vector<2048x128xf32>
    %get3A_156 = arith.constant 0 : index
    %get3A_157 = arith.constant 0 : index
    %get3A_158 = vector.load %arg14[%get3A_156, %get3A_157] : memref<1x128xf32, #tpu.memory_space<vmem>>, vector<1x128xf32>
    %add3A_159 = vector.broadcast %get3A_158 : vector<1x128xf32> to vector<2048x128xf32>
    %add3A_160 = arith.addf %dot_general3A_155, %add3A_159 : vector<2048x128xf32>
    %max3A_161 = arith.constant 0.000000e+00 : f32
    %max3A_162 = vector.broadcast %max3A_161 : f32 to vector<2048x128xf32>
    %max3A_163 = arith.maximumf %add3A_160, %max3A_162 : vector<2048x128xf32>
    %swap3A = arith.constant 0 : index
    %swap3A_164 = arith.constant 0 : index
    %swap3A_165 = vector.load %arg15[%swap3A, %swap3A_164] : memref<2048x128xf32, #tpu.memory_space<vmem>>, vector<2048x128xf32>
    tpu.vector_store %arg15[%swap3A, %swap3A_164], %max3A_163 {strides = array<i32>} : memref<2048x128xf32, #tpu.memory_space<vmem>>, vector<2048x128xf32>,
    return
  }
  func.func @transform_0(%arg0: i32) -> (i32, i32) {
    %c0_i32 = arith.constant 0 : i32
    %c0_i32_0 = arith.constant 0 : i32
    return %arg0, %c0_i32 : i32, i32
  }
  func.func @transform_1(%arg0: i32) -> (i32, i32) {
    %c0_i32 = arith.constant 0 : i32
    %c0_i32_0 = arith.constant 0 : i32
    return %arg0, %c0_i32 : i32, i32
  }
  func.func @transform_2(%arg0: i32) -> (i32, i32) {
    %c0_i32 = arith.constant 0 : i32
    %c0_i32_0 = arith.constant 0 : i32
    return %arg0, %c0_i32 : i32, i32
  }
  func.func @transform_3(%arg0: i32) -> (i32, i32) {
    %c0_i32 = arith.constant 0 : i32
    %c0_i32_0 = arith.constant 0 : i32
    return %arg0, %c0_i32 : i32, i32
  }
  func.func @transform_4(%arg0: i32) -> (i32, i32) {
    %c0_i32 = arith.constant 0 : i32
    %c0_i32_0 = arith.constant 0 : i32
    return %arg0, %c0_i32 : i32, i32
  }
  func.func @transform_5(%arg0: i32) -> (i32, i32) {
    %c0_i32 = arith.constant 0 : i32
    %c0_i32_0 = arith.constant 0 : i32
    return %arg0, %c0_i32 : i32, i32
  }
  func.func @transform_6(%arg0: i32) -> (i32, i32) {
    %c0_i32 = arith.constant 0 : i32
    %c0_i32_0 = arith.constant 0 : i32
    return %arg0, %c0_i32 : i32, i32
  }
  func.func @transform_7(%arg0: i32) -> (i32, i32) {
    %c0_i32 = arith.constant 0 : i32
    %c0_i32_0 = arith.constant 0 : i32
    %c0_i32_1 = arith.constant 0 : i32
    return %c0_i32, %c0_i32_0 : i32, i32
  }
  func.func @transform_8(%arg0: i32) -> (i32, i32) {
    %c0_i32 = arith.constant 0 : i32
    %c0_i32_0 = arith.constant 0 : i32
    %c0_i32_1 = arith.constant 0 : i32
    return %c0_i32, %c0_i32_0 : i32, i32
  }
  func.func @transform_9(%arg0: i32) -> (i32, i32) {
    %c0_i32 = arith.constant 0 : i32
    %c0_i32_0 = arith.constant 0 : i32
    %c0_i32_1 = arith.constant 0 : i32
    return %c0_i32, %c0_i32_0 : i32, i32
  }
  func.func @transform_10(%arg0: i32) -> (i32, i32) {
    %c0_i32 = arith.constant 0 : i32
    %c0_i32_0 = arith.constant 0 : i32
    %c0_i32_1 = arith.constant 0 : i32
    return %c0_i32, %c0_i32_0 : i32, i32
  }
  func.func @transform_11(%arg0: i32) -> (i32, i32) {
    %c0_i32 = arith.constant 0 : i32
    %c0_i32_0 = arith.constant 0 : i32
    %c0_i32_1 = arith.constant 0 : i32
    return %c0_i32, %c0_i32_0 : i32, i32
  }
  func.func @transform_12(%arg0: i32) -> (i32, i32) {
    %c0_i32 = arith.constant 0 : i32
    %c0_i32_0 = arith.constant 0 : i32
    %c0_i32_1 = arith.constant 0 : i32
    return %c0_i32, %c0_i32_0 : i32, i32
  }
  func.func @transform_13(%arg0: i32) -> (i32, i32) {
    %c0_i32 = arith.constant 0 : i32
    %c0_i32_0 = arith.constant 0 : i32
    %c0_i32_1 = arith.constant 0 : i32
    return %c0_i32, %c0_i32_0 : i32, i32
  }
  func.func @transform_14(%arg0: i32) -> (i32, i32) {
    %c0_i32 = arith.constant 0 : i32
    %c0_i32_0 = arith.constant 0 : i32
    return %arg0, %c0_i32 : i32, i32
  }
}

</mosaic_0001>

<sc_bundles>
// kernel: kernel.10.cloned.1.call-start
scs
__scs_entry_jumppad:
0x0: {  	(pc) =	sbr.rel $0x88, $3  }
0x1: {  	(tag) =	ssettag $0x0;
	lr =	simm.s32 $0x1  }
0x2: {  	[smem:$0x3F8E] =	sst lr;
	_ =	strace $0xD0000000  }
0x3: {  	_ = 	snop  }
0x4: {  	_ = 	snop  }
0x5: {  	_ = 	snop  }
0x6: {  	_ = 	snop  }
0x7: {  	_ = 	snop  }
__scs_overlays_trampoline_lowered:
0x8: {  	[smem:$0x3F9D] =	sst s0  }
0x9: {  	[smem:$0x3F9E] =	sst s1  }
0xa: {  	[smem:$0x3F9F] =	sst s2  }
0xb: {  	[smem:$0x3FA0] =	sst s3  }
0xc: {  	[smem:$0x3FA1] =	sst s4  }
0xd: {  	[smem:$0x3FA2] =	sst s5  }
0xe: {  	[smem:$0x3FA3] =	sst s6  }
0xf: {  	[smem:$0x3FA4] =	sst s7  }
0x10: {  	[smem:$0x3FA5] =	sst s8  }
0x11: {  	[smem:$0x3FA6] =	sst s9;
	s0 =	simm.s32 @!p0 $0x0  }
0x12: {  	s1 =	sld [smem:$0x3F8C];
	s0 =	simm.s32 @p0 $0x1  }
0x13: {  	[smem:$0x3FA7] =	sst s0;
	s0 =	simm.s32 @!p1 $0x0  }
0x14: {  	s2 =	sld [smem:$0x3F8B];
	s0 =	simm.s32 @p1 $0x1  }
0x15: {  	[smem:$0x3FA8] =	sst s0;
	s0 =	simm.s32 @!p2 $0x0  }
0x16: {  	s3 =	sld [smem:$0x3FDB];
	s0 =	simm.s32 @p2 $0x1  }
0x17: {  	s4 =	simm.s32 $0x1BF5;
	[smem:$0x3FAA] =	sst s0  }
0x18: {  	s0 =	sld [smem:$0x3F8D];
	_ =	swait.ge [sflag:s4], $0x0  }
0x19: {  	s7 =	sld [smem:$0x3F8E]  }
0x1a: {  	s8 =	sadd.s32 $0xFFFFE003, lr  }
0x1b: {  	s9 =	sadd.s32 $0xFFFFFEF7, lr;
	s5 =	simm.s32 $0xFFFFFFFF;
	p2 =	slt.u32 s8, $0xFFFFF086  }
0x1c: {  	p1 =	slt.u32 s9, $0xF7A;
	s5 =	simm.s32 @!p2 $0x0  }
0x1d: {  	s5 =	simm.s32 @p1 $0x1;
	p0 =	seq.s32 s7, s2  }
0x1e: {  	s7 =	smul.u32 @!p0 $0xF7A, s2;
	p2 =	seq.s32 @!p0 s5, $0x0  }
0x1f: {  	s9 =	smul.u32 $0xF7A, s1;
	s8 =	simm.s32 @!p0 $0x1BF5;
	p2 =	por !p2, p0  }
0x20: {  	[sflag:s8] =	ssyncset.s32 @!p0 $0xFFFFF086;
	s6 =	sadd.s32 @!p0 s3, s7;
	s7 =	simm.s32 @!p0 $0x108  }
0x21: {  	s3 =	sadd.s32 s3, s9;
	s6 =	sadd.s32 @!p0 $0x88, s6;
	s7 =	simm.s32 @p2 $0x1082  }
0x22: {  	[simem:s7], [sflag:s8] =	dma.local @!p0 [hbm:s6], $0xF7A  }
0x23: {  	s9 =	sor.u32 $0xD0000000, s2;
	s6 =	simm.s32 $0x108;
	_ =	swait.ge @!p0 [sflag:s8], $0x0  }
0x24: {  	s3 =	sadd.s32 $0x88, s3;
	s6 =	simm.s32 @!p1 $0x1082;
	[sflag:s4] =	ssyncset.s32 $0xFFFFF086  }
0x25: {  	[simem:s6], [sflag:s4] =	dma.local [hbm:s3], $0xF7A  }
0x26: {  	[smem:$0x3F8E] =	sst s1;
	(tag) =	ssettag s2;
	_ =	strace s9  }
0x27: {  	s1 =	sld [smem:$0x3F9E]  }
0x28: {  	s2 =	sld [smem:$0x3F9F]  }
0x29: {  	s4 =	sld [smem:$0x3FA1]  }
0x2a: {  	p0 =	seq.s32 s5, $0x0;
	s5 =	sld [smem:$0x3FA2]  }
0x2b: {  	s6 =	sld [smem:$0x3FA3]  }
0x2c: {  	s7 =	sld [smem:$0x3FA4]  }
0x2d: {  	s3 =	simm.s32 $0x108;
	s8 =	sld [smem:$0x3FA5]  }
0x2e: {  	s3 =	simm.s32 @!p0 $0x1082;
	s9 =	sld [smem:$0x3FA6]  }
0x2f: {  	lr =	sadd.s32 s0, s3;
	s0 =	sld [smem:$0x3F9D]  }
0x30: {  	s3 =	sld [smem:$0x3FA0]  }
0x31: {  	[smem:$0x3FA9] =	sst s10  }
0x32: {  	s10 =	sld [smem:$0x3FA7];
	_ =	sdelay $0x3  }
0x33: {  	p0 =	seq.s32 s10, $0x1;
	s10 =	sld [smem:$0x3FA9];
	_ =	sdelay $0x3  }
0x34: {  	[smem:$0x3FA9] =	sst s10  }
0x35: {  	s10 =	sld [smem:$0x3FA8];
	_ =	sdelay $0x3  }
0x36: {  	p1 =	seq.s32 s10, $0x1;
	s10 =	sld [smem:$0x3FA9];
	_ =	sdelay $0x3  }
0x37: {  	[smem:$0x3FA9] =	sst s10  }
0x38: {  	s10 =	sld [smem:$0x3FAA]  }
0x39: {  	_ = 	snop;
	(pc) =	sbr.ind lr, $3  }
0x3a: {  	_ = 	snop  }
0x3b: {  	_ = 	snop  }
0x3c: {  	p2 =	seq.s32 s10, $0x1;
	s10 =	sld [smem:$0x3FA9]  }
0x3d: {  	_ =	shalt  }
0x3e: {  	_ =	shalt  }
0x3f: {  	_ =	shalt  }
0x40: {  	_ =	shalt  }
0x41: {  	_ =	shalt  }
0x42: {  	_ =	shalt  }
0x43: {  	_ =	shalt  }
0x44: {  	_ =	shalt  }
0x45: {  	_ =	shalt  }
0x46: {  	_ =	shalt  }
0x47: {  	_ =	shalt  }
0x48: {  	_ =	shalt  }
0x49: {  	_ =	shalt  }
0x4a: {  	_ =	shalt  }
0x4b: {  	_ =	shalt  }
0x4c: {  	_ =	shalt  }
0x4d: {  	_ =	shalt  }
0x4e: {  	_ =	shalt  }
0x4f: {  	_ =	shalt  }
0x50: {  	_ =	shalt  }
0x51: {  	_ =	shalt  }
0x52: {  	_ =	shalt  }
0x53: {  	_ =	shalt  }
0x54: {  	_ =	shalt  }
0x55: {  	_ =	shalt  }
0x56: {  	_ =	shalt  }
0x57: {  	_ =	shalt  }
0x58: {  	_ =	shalt  }
0x59: {  	_ =	shalt  }
0x5a: {  	_ =	shalt  }
0x5b: {  	_ =	shalt  }
0x5c: {  	_ =	shalt  }
0x5d: {  	_ =	shalt  }
0x5e: {  	_ =	shalt  }
0x5f: {  	_ =	shalt  }
0x60: {  	_ =	shalt  }
0x61: {  	_ =	shalt  }
0x62: {  	_ =	shalt  }
0x63: {  	_ =	shalt  }
0x64: {  	_ =	shalt  }
0x65: {  	_ =	shalt  }
0x66: {  	_ =	shalt  }
0x67: {  	_ =	shalt  }
0x68: {  	_ =	shalt  }
0x69: {  	_ =	shalt  }
0x6a: {  	_ =	shalt  }
0x6b: {  	_ =	shalt  }
0x6c: {  	_ =	shalt  }
0x6d: {  	_ =	shalt  }
0x6e: {  	_ =	shalt  }
0x6f: {  	_ =	shalt  }
0x70: {  	_ =	shalt  }
0x71: {  	_ =	shalt  }
0x72: {  	_ =	shalt  }
0x73: {  	_ =	shalt  }
0x74: {  	_ =	shalt  }
0x75: {  	_ =	shalt  }
0x76: {  	_ =	shalt  }
0x77: {  	_ =	shalt  }
0x78: {  	_ =	shalt  }
0x79: {  	_ =	shalt  }
0x7a: {  	_ =	shalt  }
0x7b: {  	_ =	shalt  }
0x7c: {  	_ =	shalt  }
0x7d: {  	_ =	shalt  }
0x7e: {  	_ =	shalt  }
0x7f: {  	_ =	shalt  }
0x80: {  	_ =	shalt  }
0x81: {  	_ =	shalt  }
0x82: {  	_ =	shalt  }
0x83: {  	_ =	shalt  }
0x84: {  	_ =	shalt  }
0x85: {  	_ =	shalt  }
0x86: {  	_ =	shalt  }
0x87: {  	_ =	shalt  }
.Lfunc_end0:
.L_simem_size_0:
called_computation.1_lowered:
.L_overlay_start_0:
0x88: {  	s2 =	sld [smem:$0x3FD9]  }
0x89: {  	s3 =	sld [smem:$0x3FFE];
	_ =	sdelay $0x1  }
0x8a: {  	s1 =	srdreg.scid  }
0x8b: {  	s0 =	sand.u32 $0x1, s1  }
0x8c: {  	s17 =	sshll.u32 s0, $0xA;
	s2 =	sadd.s32 s3, s2  }
0x8d: {  	s2 =	sadd.s32 s2, s17  }
0x8e: {  	[smem:$0x3FB5] =	sst s2  }
0x8f: {  	_ = 	snop  }
0x90: {  	s2 =	sld [smem:$0x3FD0];
	(tm) =	ssettm $0x1  }
0x91: {  	s18 =	sld [smem:$0x3FFB];
	_ =	sdelay $0x3  }
0x92: {  	_ =	strace s18  }
0x93: {  	s3 =	sld [smem:$0x3FFC];
	_ =	sdelay $0x3  }
0x94: {  	_ =	strace s3  }
0x95: {  	s3 =	sld [smem:$0x3FFD];
	_ =	sdelay $0x3  }
0x96: {  	_ =	strace s3  }
0x97: {  	_ =	strace $0x8FFFFFFF  }
0x98: {  	s19 =	sld [smem:$0x3FDB];
	_ =	sdelay $0x1  }
0x99: {  	s4 =	simm.s32 $_scs_section_size  }
0x9a: {  	s5 =	simm.s32 $_size__tile_overlayer_lowered;
	s6 =	simm.s32 $_tile_overlayer_lowered  }
0x9b: {  	s22 =	simm.s32 $0x1BFF;
	s21 =	sshll.u32 s6, $0x1;
	s3 =	sadd.s32 s4, s19  }
0x9c: {  	s7 =	simm.s32 $0x0;
	s20 =	sshll.u32 s5, $0x1;
	s5 =	sadd.s32 s21, s3  }
0x9d: {  	[timem:s7], [sflag:s22] =	dma.local [hbm:s5], s20  }
0x9e: {  	_ =	swait.ge [sflag:s22], s20  }
0x9f: {  	s4 =	ssub.s32 $0x0, s20;
	[sflag:s22] =	ssyncset.done $0x0  }
0xa0: {  	[sflag:s22] =	ssyncadd.s32 s4;
	_ =	sdelay $0x1  }
0xa1: {  	s23 =	simm.s32 $0x1B8B  }
0xa2: {  	_ =	swait.ge [sflag:s23], $0x1  }
0xa3: {  	[sflag:s23] =	ssyncset.done $0x0  }
0xa4: {  	s25 =	simm.s32 $0x1B8E;
	s24 =	sld [smem:$0x3FFE];
	[sflag:s23] =	ssyncadd.s32 $0xFFFFFFFF  }
0xa5: {  	s26 =	simm.s32 $execute0_lowered;
	[smem:$0x3FD2] =	sst s25  }
0xa6: {  	s5 =	sshll.u32 s26, $0x1;
	_ =	strace $0x80000046;
	[dreg:$0x1] =	wrdreg $0xFFFFFFFF  }
0xa7: {  	s28 =	simm.s32 $_size_execute0_lowered;
	s3 =	sadd.s32 s3, s5;
	[dreg:$0x0] =	wrdreg $0x0  }
0xa8: {  	s5 =	sshll.u32 s28, $0x1;
	[dreg:$0x2] =	wrdreg s3  }
0xa9: {  	[dreg:$0x3] =	wrdreg s5  }
0xaa: {  	[dreg:$0x4] =	wrdreg $0xC0  }
0xab: {  	_ =	task [dreg:s7], $0x5FFFF  }
0xac: {  	[dreg:$0x1] =	wrdreg $0xFFFFFFFF  }
0xad: {  	[dreg:$0x0] =	wrdreg $0x60  }
0xae: {  	[dreg:$0x2] =	wrdreg s24  }
0xaf: {  	[dreg:$0x3] =	wrdreg s2  }
0xb0: {  	[dreg:$0x4] =	wrdreg $0xA  }
0xb1: {  	_ =	task.clear_ibuf [dreg:s7], $0x5FFFF;
	_ =	strace $0x90000046  }
0xb2: {  	s29 =	simm.s32 $0xA;
	_ =	strace $0x80000048  }
0xb3: {  	_ =	swait.ge [sflag:s29], $0x1  }
0xb4: {  	[sflag:s29] =	ssyncadd.s32 $0xFFFFFFFF  }
0xb5: {  	_ =	strace $0x90000048  }
0xb6: {  	_ =	sfence  }
0xb7: {  	s30 =	sld [smem:$0x0];
	_ =	sdelay $0x2  }
0xb8: {  	s31 =	sshll.u32 s1, $0xD;
	s1 =	sshrl.u32 s1, $0x2  }
0xb9: {  	s3 =	sand.u32 $0x4000, s31;
	s1 =	sadd.s32 s1, s30  }
0xba: {  	s0 =	sor.u32 s3, s0;
	s1 =	sshll.u32 s1, $0x11  }
0xbb: {  	s0 =	sor.u32 s1, s0  }
0xbc: {  	s0 =	sadd.s32 $0x8F2B, s0  }
0xbd: {  	[sflag:s0] =	ssyncadd.remote.s32 $0x1  }
0xbe: {  	_ =	sfence.sel $0xFFFF  }
0xbf: {  	[dreg:$0x0] =	wrdreg $0xFFFFFFFF;
	(pc) =	sbr.abs _section_cstart, $3  }
0xc0: {  	[dreg:$0x1] =	wrdreg $0xFFFFFFFF  }
0xc1: {  	_ =	task.clear_ibuf [dreg:s7], $0x2FFFF;
	_ =	strace $0x9FFFFFFF  }
0xc2: {  	(tm) =	ssettm $0x7FFFFFFF  }
0xc3: {  	_ =	shalt  }
tec
execute0_lowered:
.L_overlay_start_1:
0x0: {  	(tag) =	ssettag $0x1  }
0x1: {  	s1 =	srdreg.scid  }
0x2: {  	s5 =	rddreg [dreg:$0x0];
	s0 =	stileid.u32;
	s17 =	sand.u32 $0x1, s1  }
0x3: {  	s11 =	rddreg [dreg:$0x1];
	s4 =	sshll.u32 s0, $0x7;
	s3 =	sshll.u32 s17, $0x6  }
0x4: {  	s2 =	simm.s32 $0x0;
	s1 =	rddreg [dreg:$0x2];
	s3 =	sor.u32 s3, s4  }
0x5: {  	[smem:$0x7FF] =	sst s2;
	s15 =	sadd.s32 s3, s5  }
0x6: {  	_ =	strace $0x80000047;
	s3 =	simm.s32 $0x3;
	s4 =	sadd.s32 $0x3200, s15  }
0x7: {  	[tilespmem:s2], [sflag:$0x3] =	stream.linear.gather [hbm4b:s4+s2], $0x80, $0x38;
	[tilespmem:$0x8100] =	vst v63  }
0x8: {  	_ =	swait.ge [sflag:s3], $0x80  }
0x9: {  	s6 =	simm.s32 $0x80;
	[sflag:s3] =	ssyncset.done $0x0  }
0xa: {  	s7 =	simm.s32 $0x100;
	s5 =	sadd.s32 $0x3A00, s5;
	[sflag:s3] =	ssyncadd.s32 $0xFFFFFF80  }
0xb: {  	[tilespmem:s7], [sflag:$0x1] =	stream.indirect.gather [hbm4b:s5+s6], $0x80, s2, s6, $0xb8;
	[tilespmem:$0x8100] =	vst v63  }
0xc: {  	s8 =	sadd.s32 $0x3210, s15  }
0xd: {  	[tilespmem:s6], [sflag:$0x3] =	stream.linear.gather [hbm4b:s8+s2], $0x80, $0x38;
	[tilespmem:$0x8100] =	vst v63  }
0xe: {  	_ =	swait.ge [sflag:s3], $0x80  }
0xf: {  	[sflag:s3] =	ssyncset.done $0x0  }
0x10: {  	s9 =	simm.s32 $0x4100;
	s10 =	simm.s32 $0x1;
	[sflag:s3] =	ssyncadd.s32 $0xFFFFFF80  }
0x11: {  	[tilespmem:s9], [sflag:$0x2] =	stream.indirect.gather [hbm4b:s5+s6], $0x80, s6, s6, $0xb8;
	[tilespmem:$0x8100] =	vst v63  }
0x12: {  	s12 =	sshll.u32 s0, $0xE;
	s13 =	sshll.u32 s17, $0xD;
	_ =	swait.ge [sflag:s10], $0x4000  }
0x13: {  	s12 =	sor.u32 s13, s12;
	[sflag:s10] =	ssyncset.done $0x0  }
0x14: {  	s11 =	sadd.s32 s11, s12;
	[sflag:s10] =	ssyncadd.s32 $0xFFFFC000  }
0x15: {  	[hbm4b:s11+s2] =	stream.linear.scatter [tilespmem:s7], [sflag:$0x3], $0x4000, $0x38;
	[tilespmem:$0x8100] =	vst v63  }
0x16: {  	_ =	swait.ge [sflag:s3], $0x4000  }
0x17: {  	[sflag:s3] =	ssyncset.done $0x0  }
0x18: {  	s12 =	sadd.s32 $0x3220, s15;
	[sflag:s3] =	ssyncadd.s32 $0xFFFFC000  }
0x19: {  	[tilespmem:s2], [sflag:$0x3] =	stream.linear.gather [hbm4b:s12+s2], $0x80, $0x38;
	[tilespmem:$0x8100] =	vst v63  }
0x1a: {  	_ =	swait.ge [sflag:s3], $0x80  }
0x1b: {  	[sflag:s3] =	ssyncset.done $0x0  }
0x1c: {  	s13 =	simm.s32 $0x2;
	[sflag:s3] =	ssyncadd.s32 $0xFFFFFF80  }
0x1d: {  	[tilespmem:s7], [sflag:$0x1] =	stream.indirect.gather [hbm4b:s5+s6], $0x80, s2, s6, $0xb8;
	[tilespmem:$0x8100] =	vst v63  }
0x1e: {  	_ =	swait.ge [sflag:s13], $0x4000  }
0x1f: {  	[sflag:s13] =	ssyncset.done $0x0  }
0x20: {  	s14 =	sadd.s32 $0x800, s11;
	[sflag:s13] =	ssyncadd.s32 $0xFFFFC000  }
0x21: {  	[hbm4b:s14+s2] =	stream.linear.scatter [tilespmem:s9], [sflag:$0x3], $0x4000, $0x38;
	[tilespmem:$0x8100] =	vst v63  }
0x22: {  	_ =	swait.ge [sflag:s3], $0x4000  }
0x23: {  	[sflag:s3] =	ssyncset.done $0x0  }
0x24: {  	s15 =	sadd.s32 $0x3230, s15;
	[sflag:s3] =	ssyncadd.s32 $0xFFFFC000  }
0x25: {  	[tilespmem:s6], [sflag:$0x3] =	stream.linear.gather [hbm4b:s15+s2], $0x80, $0x38;
	[tilespmem:$0x8100] =	vst v63  }
0x26: {  	_ =	swait.ge [sflag:s3], $0x80  }
0x27: {  	[sflag:s3] =	ssyncset.done $0x0  }
0x28: {  	[sflag:s3] =	ssyncadd.s32 $0xFFFFFF80  }
0x29: {  	[tilespmem:s9], [sflag:$0x2] =	stream.indirect.gather [hbm4b:s5+s6], $0x80, s6, s6, $0xb8;
	[tilespmem:$0x8100] =	vst v63  }
0x2a: {  	_ =	swait.ge [sflag:s10], $0x4000  }
0x2b: {  	[sflag:s10] =	ssyncset.done $0x0  }
0x2c: {  	s17 =	ssub.s32 $0x2, s17;
	s16 =	sadd.s32 $0x1000, s11;
	[sflag:s10] =	ssyncadd.s32 $0xFFFFC000  }
0x2d: {  	[hbm4b:s16+s2] =	stream.linear.scatter [tilespmem:s7], [sflag:$0x3], $0x4000, $0x38;
	[tilespmem:$0x8100] =	vst v63  }
0x2e: {  	s18 =	sshrl.u32 s17, $0x1;
	_ =	swait.ge [sflag:s3], $0x4000  }
0x2f: {  	s18 =	ssub.s32 s17, s18;
	[sflag:s3] =	ssyncset.done $0x0  }
0x30: {  	s18 =	smax.u32 s18, $0x1;
	[sflag:s3] =	ssyncadd.s32 $0xFFFFC000  }
0x31: {  	p0 =	sne.s32 s18, $0x1;
	_ =	swait.ge [sflag:s13], $0x4000  }
.Ltmp0:
0x32: {  	[sflag:s13] =	ssyncset.done $0x0;
	(pc) =	sbr.rel @!p0 .LBB2_2-.Ltmp0, $4  }
0x33: {  	s17 =	sadd.s32 $0x1800, s11;
	[sflag:s13] =	ssyncadd.s32 $0xFFFFC000  }
0x34: {  	[hbm4b:s17+s2] =	stream.linear.scatter [tilespmem:s9], [sflag:$0x3], $0x4000, $0x38;
	[tilespmem:$0x8100] =	vst v63  }
0x35: {  	_ =	swait.ge [sflag:s3], $0x4000  }
0x36: {  	s18 =	sadd.s32 $0xFFFFFFFF, s18;
	[sflag:s3] =	ssyncset.done $0x0  }
.LBB2_1:
0x37: {  	p0 =	sne.s32 s18, $0x1;
	s18 =	sadd.s32 $0xFFFFFFFF, s18;
	[sflag:s3] =	ssyncadd.s32 $0xFFFFC000  }
0x38: {  	[tilespmem:s2], [sflag:$0x3] =	stream.linear.gather [hbm4b:s4+s2], $0x80, $0x38;
	[tilespmem:$0x8100] =	vst v63  }
0x39: {  	_ =	swait.ge [sflag:s3], $0x80  }
0x3a: {  	[sflag:s3] =	ssyncset.done $0x0  }
0x3b: {  	[sflag:s3] =	ssyncadd.s32 $0xFFFFFF80  }
0x3c: {  	[tilespmem:s7], [sflag:$0x1] =	stream.indirect.gather [hbm4b:s5+s6], $0x80, s2, s6, $0xb8;
	[tilespmem:$0x8100] =	vst v63  }
0x3d: {  	_ = 	snop  }
0x3e: {  	[tilespmem:s6], [sflag:$0x3] =	stream.linear.gather [hbm4b:s8+s2], $0x80, $0x38;
	[tilespmem:$0x8100] =	vst v63  }
0x3f: {  	_ =	swait.ge [sflag:s3], $0x80  }
0x40: {  	[sflag:s3] =	ssyncset.done $0x0  }
0x41: {  	[sflag:s3] =	ssyncadd.s32 $0xFFFFFF80  }
0x42: {  	[tilespmem:s9], [sflag:$0x2] =	stream.indirect.gather [hbm4b:s5+s6], $0x80, s6, s6, $0xb8;
	[tilespmem:$0x8100] =	vst v63  }
0x43: {  	_ =	swait.ge [sflag:s10], $0x4000  }
0x44: {  	[sflag:s10] =	ssyncset.done $0x0  }
0x45: {  	[sflag:s10] =	ssyncadd.s32 $0xFFFFC000  }
0x46: {  	[hbm4b:s11+s2] =	stream.linear.scatter [tilespmem:s7], [sflag:$0x3], $0x4000, $0x38;
	[tilespmem:$0x8100] =	vst v63  }
0x47: {  	_ =	swait.ge [sflag:s3], $0x4000  }
0x48: {  	[sflag:s3] =	ssyncset.done $0x0  }
0x49: {  	[sflag:s3] =	ssyncadd.s32 $0xFFFFC000  }
0x4a: {  	[tilespmem:s2], [sflag:$0x3] =	stream.linear.gather [hbm4b:s12+s2], $0x80, $0x38;
	[tilespmem:$0x8100] =	vst v63  }
0x4b: {  	_ =	swait.ge [sflag:s3], $0x80  }
0x4c: {  	[sflag:s3] =	ssyncset.done $0x0  }
0x4d: {  	[sflag:s3] =	ssyncadd.s32 $0xFFFFFF80  }
0x4e: {  	[tilespmem:s7], [sflag:$0x1] =	stream.indirect.gather [hbm4b:s5+s6], $0x80, s2, s6, $0xb8;
	[tilespmem:$0x8100] =	vst v63  }
0x4f: {  	_ =	swait.ge [sflag:s13], $0x4000  }
0x50: {  	[sflag:s13] =	ssyncset.done $0x0  }
0x51: {  	[sflag:s13] =	ssyncadd.s32 $0xFFFFC000  }
0x52: {  	[hbm4b:s14+s2] =	stream.linear.scatter [tilespmem:s9], [sflag:$0x3], $0x4000, $0x38;
	[tilespmem:$0x8100] =	vst v63  }
0x53: {  	_ =	swait.ge [sflag:s3], $0x4000  }
0x54: {  	[sflag:s3] =	ssyncset.done $0x0  }
0x55: {  	[sflag:s3] =	ssyncadd.s32 $0xFFFFC000  }
0x56: {  	[tilespmem:s6], [sflag:$0x3] =	stream.linear.gather [hbm4b:s15+s2], $0x80, $0x38;
	[tilespmem:$0x8100] =	vst v63  }
0x57: {  	_ =	swait.ge [sflag:s3], $0x80  }
0x58: {  	[sflag:s3] =	ssyncset.done $0x0  }
0x59: {  	[sflag:s3] =	ssyncadd.s32 $0xFFFFFF80  }
0x5a: {  	[tilespmem:s9], [sflag:$0x2] =	stream.indirect.gather [hbm4b:s5+s6], $0x80, s6, s6, $0xb8;
	[tilespmem:$0x8100] =	vst v63  }
0x5b: {  	_ =	swait.ge [sflag:s10], $0x4000  }
0x5c: {  	[sflag:s10] =	ssyncset.done $0x0  }
0x5d: {  	[sflag:s10] =	ssyncadd.s32 $0xFFFFC000  }
0x5e: {  	[hbm4b:s16+s2] =	stream.linear.scatter [tilespmem:s7], [sflag:$0x3], $0x4000, $0x38;
	[tilespmem:$0x8100] =	vst v63  }
0x5f: {  	_ =	swait.ge [sflag:s3], $0x4000  }
0x60: {  	[sflag:s3] =	ssyncset.done $0x0  }
0x61: {  	[sflag:s3] =	ssyncadd.s32 $0xFFFFC000  }
0x62: {  	_ =	swait.ge [sflag:s13], $0x4000  }
.Ltmp1:
0x63: {  	[sflag:s13] =	ssyncset.done $0x0;
	(pc) =	sbr.rel @p0 .LBB2_1-.Ltmp1, $4  }
0x64: {  	[sflag:s13] =	ssyncadd.s32 $0xFFFFC000  }
0x65: {  	[hbm4b:s17+s2] =	stream.linear.scatter [tilespmem:s9], [sflag:$0x3], $0x4000, $0x38;
	[tilespmem:$0x8100] =	vst v63  }
0x66: {  	_ =	swait.ge [sflag:s3], $0x4000  }
0x67: {  	[sflag:s3] =	ssyncset.done $0x0  }
.LBB2_2:
0x68: {  	[sflag:s3] =	ssyncadd.s32 $0xFFFFC000  }
0x69: {  	_ =	sfence.sel $0x180000  }
0x6a: {  	[bflag:$0x0] =	sbarrier.arrive $0xFFFF  }
0x6b: {  	p0 =	sne.s32 s0, $0x0;
	_ =	strace $0x90000047  }
0x6c: {  	s0 =	sadd.s32 @!p0 $0x100000, s1;
	[bflag:$0x2] =	sbarrier.arrive $0xFFFF  }
0x6d: {  	[sflag:s0] =	ssyncadd.tile.s32 @!p0 $0x1;
	_ =	shalt  }
.Lfunc_end2:
_tile_overlayer_lowered:
.L_overlay_start_2:
0x6e: {  	(tag) =	ssettag $0x2  }
0x6f: {  	s0 =	rddreg [dreg:$0x0];
	s2 =	stileid.u32  }
0x70: {  	s1 =	rddreg [dreg:$0x1];
	p0 =	sne.s32 s2, $0x0  }
0x71: {  	s3 =	rddreg [dreg:$0x2];
	[bflag:$0x3] =	sbarrier.arrive $0xFFFF;
	s2 =	simm.s32 @!p0 $0x1C03  }
0x72: {  	[timem:s3], [sflag:s2] =	dma.local @!p0 [hbm:s0], s1  }
0x73: {  	s0 =	simm.s32 @!p0 $0x3  }
0x74: {  	_ =	swait.ge @!p0 [sflag:s0], s1  }
0x75: {  	s1 =	ssub.s32 @!p0 $0x0, s1;
	[sflag:s0] =	ssyncset.done @!p0 $0x0  }
0x76: {  	[sflag:s0] =	ssyncadd.s32 @!p0 s1  }
0x77: {  	[bflag:$0x3] =	sbarrier.arrive $0xFFFF  }
0x78: {  	_ =	shalt  }

// kernel: kernel.7.cloned.1.call-start
scs
__scs_entry_jumppad:
0x0: {  	(pc) =	sbr.rel $0x88, $3  }
0x1: {  	(tag) =	ssettag $0x0;
	lr =	simm.s32 $0x1  }
0x2: {  	[smem:$0x3F8E] =	sst lr;
	_ =	strace $0xD0000000  }
0x3: {  	_ = 	snop  }
0x4: {  	_ = 	snop  }
0x5: {  	_ = 	snop  }
0x6: {  	_ = 	snop  }
0x7: {  	_ = 	snop  }
__scs_overlays_trampoline_lowered:
0x8: {  	[smem:$0x3F9D] =	sst s0  }
0x9: {  	[smem:$0x3F9E] =	sst s1  }
0xa: {  	[smem:$0x3F9F] =	sst s2  }
0xb: {  	[smem:$0x3FA0] =	sst s3  }
0xc: {  	[smem:$0x3FA1] =	sst s4  }
0xd: {  	[smem:$0x3FA2] =	sst s5  }
0xe: {  	[smem:$0x3FA3] =	sst s6  }
0xf: {  	[smem:$0x3FA4] =	sst s7  }
0x10: {  	[smem:$0x3FA5] =	sst s8  }
0x11: {  	[smem:$0x3FA6] =	sst s9;
	s0 =	simm.s32 @!p0 $0x0  }
0x12: {  	s1 =	sld [smem:$0x3F8C];
	s0 =	simm.s32 @p0 $0x1  }
0x13: {  	[smem:$0x3FA7] =	sst s0;
	s0 =	simm.s32 @!p1 $0x0  }
0x14: {  	s2 =	sld [smem:$0x3F8B];
	s0 =	simm.s32 @p1 $0x1  }
0x15: {  	[smem:$0x3FA8] =	sst s0;
	s0 =	simm.s32 @!p2 $0x0  }
0x16: {  	s3 =	sld [smem:$0x3FDB];
	s0 =	simm.s32 @p2 $0x1  }
0x17: {  	s4 =	simm.s32 $0x1BF5;
	[smem:$0x3FAA] =	sst s0  }
0x18: {  	s0 =	sld [smem:$0x3F8D];
	_ =	swait.ge [sflag:s4], $0x0  }
0x19: {  	s7 =	sld [smem:$0x3F8E]  }
0x1a: {  	s8 =	sadd.s32 $0xFFFFE003, lr  }
0x1b: {  	s9 =	sadd.s32 $0xFFFFFEF7, lr;
	s5 =	simm.s32 $0xFFFFFFFF;
	p2 =	slt.u32 s8, $0xFFFFF086  }
0x1c: {  	p1 =	slt.u32 s9, $0xF7A;
	s5 =	simm.s32 @!p2 $0x0  }
0x1d: {  	s5 =	simm.s32 @p1 $0x1;
	p0 =	seq.s32 s7, s2  }
0x1e: {  	s7 =	smul.u32 @!p0 $0xF7A, s2;
	p2 =	seq.s32 @!p0 s5, $0x0  }
0x1f: {  	s9 =	smul.u32 $0xF7A, s1;
	s8 =	simm.s32 @!p0 $0x1BF5;
	p2 =	por !p2, p0  }
0x20: {  	[sflag:s8] =	ssyncset.s32 @!p0 $0xFFFFF086;
	s6 =	sadd.s32 @!p0 s3, s7;
	s7 =	simm.s32 @!p0 $0x108  }
0x21: {  	s3 =	sadd.s32 s3, s9;
	s6 =	sadd.s32 @!p0 $0x88, s6;
	s7 =	simm.s32 @p2 $0x1082  }
0x22: {  	[simem:s7], [sflag:s8] =	dma.local @!p0 [hbm:s6], $0xF7A  }
0x23: {  	s9 =	sor.u32 $0xD0000000, s2;
	s6 =	simm.s32 $0x108;
	_ =	swait.ge @!p0 [sflag:s8], $0x0  }
0x24: {  	s3 =	sadd.s32 $0x88, s3;
	s6 =	simm.s32 @!p1 $0x1082;
	[sflag:s4] =	ssyncset.s32 $0xFFFFF086  }
0x25: {  	[simem:s6], [sflag:s4] =	dma.local [hbm:s3], $0xF7A  }
0x26: {  	[smem:$0x3F8E] =	sst s1;
	(tag) =	ssettag s2;
	_ =	strace s9  }
0x27: {  	s1 =	sld [smem:$0x3F9E]  }
0x28: {  	s2 =	sld [smem:$0x3F9F]  }
0x29: {  	s4 =	sld [smem:$0x3FA1]  }
0x2a: {  	p0 =	seq.s32 s5, $0x0;
	s5 =	sld [smem:$0x3FA2]  }
0x2b: {  	s6 =	sld [smem:$0x3FA3]  }
0x2c: {  	s7 =	sld [smem:$0x3FA4]  }
0x2d: {  	s3 =	simm.s32 $0x108;
	s8 =	sld [smem:$0x3FA5]  }
0x2e: {  	s3 =	simm.s32 @!p0 $0x1082;
	s9 =	sld [smem:$0x3FA6]  }
0x2f: {  	lr =	sadd.s32 s0, s3;
	s0 =	sld [smem:$0x3F9D]  }
0x30: {  	s3 =	sld [smem:$0x3FA0]  }
0x31: {  	[smem:$0x3FA9] =	sst s10  }
0x32: {  	s10 =	sld [smem:$0x3FA7];
	_ =	sdelay $0x3  }
0x33: {  	p0 =	seq.s32 s10, $0x1;
	s10 =	sld [smem:$0x3FA9];
	_ =	sdelay $0x3  }
0x34: {  	[smem:$0x3FA9] =	sst s10  }
0x35: {  	s10 =	sld [smem:$0x3FA8];
	_ =	sdelay $0x3  }
0x36: {  	p1 =	seq.s32 s10, $0x1;
	s10 =	sld [smem:$0x3FA9];
	_ =	sdelay $0x3  }
0x37: {  	[smem:$0x3FA9] =	sst s10  }
0x38: {  	s10 =	sld [smem:$0x3FAA]  }
0x39: {  	_ = 	snop;
	(pc) =	sbr.ind lr, $3  }
0x3a: {  	_ = 	snop  }
0x3b: {  	_ = 	snop  }
0x3c: {  	p2 =	seq.s32 s10, $0x1;
	s10 =	sld [smem:$0x3FA9]  }
0x3d: {  	_ =	shalt  }
0x3e: {  	_ =	shalt  }
0x3f: {  	_ =	shalt  }
0x40: {  	_ =	shalt  }
0x41: {  	_ =	shalt  }
0x42: {  	_ =	shalt  }
0x43: {  	_ =	shalt  }
0x44: {  	_ =	shalt  }
0x45: {  	_ =	shalt  }
0x46: {  	_ =	shalt  }
0x47: {  	_ =	shalt  }
0x48: {  	_ =	shalt  }
0x49: {  	_ =	shalt  }
0x4a: {  	_ =	shalt  }
0x4b: {  	_ =	shalt  }
0x4c: {  	_ =	shalt  }
0x4d: {  	_ =	shalt  }
0x4e: {  	_ =	shalt  }
0x4f: {  	_ =	shalt  }
0x50: {  	_ =	shalt  }
0x51: {  	_ =	shalt  }
0x52: {  	_ =	shalt  }
0x53: {  	_ =	shalt  }
0x54: {  	_ =	shalt  }
0x55: {  	_ =	shalt  }
0x56: {  	_ =	shalt  }
0x57: {  	_ =	shalt  }
0x58: {  	_ =	shalt  }
0x59: {  	_ =	shalt  }
0x5a: {  	_ =	shalt  }
0x5b: {  	_ =	shalt  }
0x5c: {  	_ =	shalt  }
0x5d: {  	_ =	shalt  }
0x5e: {  	_ =	shalt  }
0x5f: {  	_ =	shalt  }
0x60: {  	_ =	shalt  }
0x61: {  	_ =	shalt  }
0x62: {  	_ =	shalt  }
0x63: {  	_ =	shalt  }
0x64: {  	_ =	shalt  }
0x65: {  	_ =	shalt  }
0x66: {  	_ =	shalt  }
0x67: {  	_ =	shalt  }
0x68: {  	_ =	shalt  }
0x69: {  	_ =	shalt  }
0x6a: {  	_ =	shalt  }
0x6b: {  	_ =	shalt  }
0x6c: {  	_ =	shalt  }
0x6d: {  	_ =	shalt  }
0x6e: {  	_ =	shalt  }
0x6f: {  	_ =	shalt  }
0x70: {  	_ =	shalt  }
0x71: {  	_ =	shalt  }
0x72: {  	_ =	shalt  }
0x73: {  	_ =	shalt  }
0x74: {  	_ =	shalt  }
0x75: {  	_ =	shalt  }
0x76: {  	_ =	shalt  }
0x77: {  	_ =	shalt  }
0x78: {  	_ =	shalt  }
0x79: {  	_ =	shalt  }
0x7a: {  	_ =	shalt  }
0x7b: {  	_ =	shalt  }
0x7c: {  	_ =	shalt  }
0x7d: {  	_ =	shalt  }
0x7e: {  	_ =	shalt  }
0x7f: {  	_ =	shalt  }
0x80: {  	_ =	shalt  }
0x81: {  	_ =	shalt  }
0x82: {  	_ =	shalt  }
0x83: {  	_ =	shalt  }
0x84: {  	_ =	shalt  }
0x85: {  	_ =	shalt  }
0x86: {  	_ =	shalt  }
0x87: {  	_ =	shalt  }
.Lfunc_end0:
.L_simem_size_0:
called_computation_lowered:
.L_overlay_start_0:
0x88: {  	s2 =	sld [smem:$0x3FD9]  }
0x89: {  	s3 =	sld [smem:$0x3FFE];
	_ =	sdelay $0x1  }
0x8a: {  	s1 =	srdreg.scid  }
0x8b: {  	s0 =	sand.u32 $0x1, s1  }
0x8c: {  	s17 =	sshll.u32 s0, $0xA;
	s2 =	sadd.s32 s3, s2  }
0x8d: {  	s2 =	sadd.s32 s2, s17  }
0x8e: {  	[smem:$0x3FB5] =	sst s2  }
0x8f: {  	_ = 	snop  }
0x90: {  	(tm) =	ssettm $0x1  }
0x91: {  	s18 =	sld [smem:$0x3FFB];
	_ =	sdelay $0x3  }
0x92: {  	_ =	strace s18  }
0x93: {  	s2 =	sld [smem:$0x3FFC];
	_ =	sdelay $0x3  }
0x94: {  	_ =	strace s2  }
0x95: {  	s2 =	sld [smem:$0x3FFD];
	_ =	sdelay $0x3  }
0x96: {  	_ =	strace s2  }
0x97: {  	_ =	strace $0x8FFFFFFF  }
0x98: {  	s19 =	sld [smem:$0x3FDB];
	_ =	sdelay $0x1  }
0x99: {  	s20 =	simm.s32 $_scs_section_size  }
0x9a: {  	s4 =	simm.s32 $_size__tile_overlayer_lowered;
	s5 =	simm.s32 $_tile_overlayer_lowered  }
0x9b: {  	s6 =	simm.s32 $0x1BFF;
	s21 =	sshll.u32 s5, $0x1;
	s3 =	sadd.s32 s20, s19  }
0x9c: {  	s22 =	simm.s32 $0x0;
	s4 =	sshll.u32 s4, $0x1;
	s5 =	sadd.s32 s21, s3  }
0x9d: {  	[timem:s22], [sflag:s6] =	dma.local [hbm:s5], s4  }
0x9e: {  	_ =	swait.ge [sflag:s6], s4  }
0x9f: {  	s4 =	ssub.s32 $0x0, s4;
	[sflag:s6] =	ssyncset.done $0x0  }
0xa0: {  	[sflag:s6] =	ssyncadd.s32 s4;
	_ =	sdelay $0x1  }
0xa1: {  	s23 =	simm.s32 $0x1B8B  }
0xa2: {  	_ =	swait.ge [sflag:s23], $0x1  }
0xa3: {  	[sflag:s23] =	ssyncset.done $0x0  }
0xa4: {  	[sflag:s23] =	ssyncadd.s32 $0xFFFFFFFF  }
0xa5: {  	s4 =	sld [smem:$0x0]  }
0xa6: {  	s5 =	sand.u32 $0xFFFFFFFE, s1  }
0xa7: {  	p0 =	sne.s32 s1, s5  }
0xa8: {  	s5 =	sshll.u32 @p0 s5, $0xE  }
0xa9: {  	s5 =	sadd.s32 @p0 $0x11B8D, s5;
	s6 =	sshll.u32 @p0 s4, $0x11  }
0xaa: {  	s5 =	sor.u32 @p0 s6, s5  }
0xab: {  	[sflag:s5] =	ssyncadd.remote.s32 @p0 $0x1;
	_ =	sdelay $0x1  }
0xac: {  	s5 =	simm.s32 @p0 $0x1B8D  }
0xad: {  	_ =	swait.eq @p0 [sflag:s5], $0x1  }
0xae: {  	[sflag:s5] =	ssyncadd.s32 @p0 $0xFFFFFFFF  }
0xaf: {  	s6 =	sshll.u32 @!p0 s1, $0xE  }
0xb0: {  	s6 =	sor.u32 @!p0 $0x4000, s6;
	s5 =	simm.s32 @!p0 $0x1B8D  }
0xb1: {  	s4 =	sshll.u32 @!p0 s4, $0x11;
	s6 =	sadd.s32 @!p0 $0x11B8D, s6;
	_ =	swait.eq @!p0 [sflag:s5], $0x1  }
0xb2: {  	s4 =	sor.u32 @!p0 s4, s6;
	[sflag:s5] =	ssyncadd.s32 @!p0 $0xFFFFFFFF  }
0xb3: {  	s25 =	simm.s32 $0x1B8E;
	s24 =	sld [smem:$0x3FFE];
	[sflag:s4] =	ssyncadd.remote.s32 @!p0 $0x1  }
0xb4: {  	s26 =	simm.s32 $execute0_lowered;
	[smem:$0x3FD2] =	sst s25  }
0xb5: {  	s5 =	sshll.u32 s26, $0x1;
	_ =	strace $0x80000049;
	[dreg:$0x1] =	wrdreg $0xFFFFFFFF  }
0xb6: {  	s28 =	simm.s32 $_size_execute0_lowered;
	s3 =	sadd.s32 s3, s5;
	[dreg:$0x0] =	wrdreg $0x0  }
0xb7: {  	s5 =	sshll.u32 s28, $0x1;
	[dreg:$0x2] =	wrdreg s3  }
0xb8: {  	[dreg:$0x3] =	wrdreg s5  }
0xb9: {  	[dreg:$0x4] =	wrdreg $0xC0  }
0xba: {  	_ =	task [dreg:s22], $0x5FFFF  }
0xbb: {  	[dreg:$0x1] =	wrdreg $0xFFFFFFFF  }
0xbc: {  	[dreg:$0x0] =	wrdreg $0x60  }
0xbd: {  	[dreg:$0x2] =	wrdreg s24  }
0xbe: {  	[dreg:$0x3] =	wrdreg $0x9  }
0xbf: {  	_ =	task.clear_ibuf [dreg:s22], $0x4FFFF;
	_ =	strace $0x90000049  }
0xc0: {  	s29 =	simm.s32 $0x9;
	_ =	strace $0x8000004B  }
0xc1: {  	_ =	swait.ge [sflag:s29], $0x1  }
0xc2: {  	[sflag:s29] =	ssyncadd.s32 $0xFFFFFFFF  }
0xc3: {  	_ =	strace $0x9000004B  }
0xc4: {  	_ =	sfence  }
0xc5: {  	s30 =	sld [smem:$0x0];
	_ =	sdelay $0x2  }
0xc6: {  	s31 =	sshll.u32 s1, $0xD;
	s1 =	sshrl.u32 s1, $0x2  }
0xc7: {  	s4 =	sand.u32 $0x4000, s31;
	s1 =	sadd.s32 s1, s30  }
0xc8: {  	s0 =	sor.u32 s4, s0;
	s1 =	sshll.u32 s1, $0x11  }
0xc9: {  	s0 =	sor.u32 s1, s0  }
0xca: {  	s0 =	sadd.s32 $0x8F2B, s0  }
0xcb: {  	[sflag:s0] =	ssyncadd.remote.s32 $0x1  }
0xcc: {  	_ =	sfence.sel $0xFFFF  }
0xcd: {  	[dreg:$0x0] =	wrdreg $0xFFFFFFFF;
	(pc) =	sbr.abs _section_cstart, $3  }
0xce: {  	[dreg:$0x1] =	wrdreg $0xFFFFFFFF  }
0xcf: {  	_ =	task.clear_ibuf [dreg:s22], $0x2FFFF;
	_ =	strace $0x9FFFFFFF  }
0xd0: {  	(tm) =	ssettm $0x7FFFFFFF  }
0xd1: {  	_ =	shalt  }
tec
execute0_lowered:
.L_overlay_start_1:
0x0: {  	(tag) =	ssettag $0x1  }
0x1: {  	s14 =	rddreg [dreg:$0x0];
	s2 =	srdreg.scid  }
0x2: {  	s0 =	rddreg [dreg:$0x1];
	s1 =	stileid.u32;
	s25 =	sand.u32 $0x1, s2  }
0x3: {  	s2 =	simm.s32 $0x0;
	s4 =	sshll.u32 s1, $0x7;
	s3 =	sshll.u32 s25, $0x6  }
0x4: {  	s23 =	sadd.s32 $0xBA4200, s14;
	[smem:$0x7FF] =	sst s2;
	s26 =	sor.u32 s3, s4  }
0x5: {  	_ =	strace $0x8000004A;
	s3 =	simm.s32 $0x3;
	s4 =	sadd.s32 s23, s26  }
0x6: {  	[tilespmem:s2], [sflag:$0x3] =	stream.linear.gather [hbm4b:s4+s2], $0x80, $0x38;
	[tilespmem:$0x8100] =	vst v63  }
0x7: {  	_ =	swait.ge [sflag:s3], $0x80  }
0x8: {  	s24 =	sadd.s32 $0xBA4A00, s14;
	[sflag:s3] =	ssyncset.done $0x0  }
0x9: {  	s6 =	simm.s32 $0x80;
	s5 =	sadd.s32 s24, s26;
	[sflag:s3] =	ssyncadd.s32 $0xFFFFFF80  }
0xa: {  	[tilespmem:s6], [sflag:$0x3] =	stream.linear.gather [hbm4b:s5+s2], $0x80, $0x38;
	[tilespmem:$0x8100] =	vst v63  }
0xb: {  	_ =	swait.ge [sflag:s3], $0x80  }
0xc: {  	[sflag:s3] =	ssyncset.done $0x0  }
0xd: {  	s8 =	simm.s32 $0x100;
	s7 =	sadd.s32 $0x7C3A00, s14;
	[sflag:s3] =	ssyncadd.s32 $0xFFFFFF80  }
0xe: {  	[tilespmem:s8], [sflag:$0x1] =	stream.indirect.gather [hbm4b:s7+s6], $0x80, s2, s6, $0xb8;
	[tilespmem:$0x8100] =	vst v63  }
0xf: {  	s10 =	simm.s32 $0x4100;
	s11 =	simm.s32 $0x1;
	s9 =	sadd.s32 $0xBA3A00, s14  }
0x10: {  	[tilespmem:s10], [sflag:$0x2] =	stream.indirect.gather [hbm4b:s9+s6], $0x80, s6, s6, $0xb8;
	[tilespmem:$0x8100] =	vst v63  }
0x11: {  	_ =	swait.ge [sflag:s11], $0x4000  }
0x12: {  	[sflag:s11] =	ssyncset.done $0x0  }
0x13: {  	s12 =	simm.s32 $0x2;
	[sflag:s11] =	ssyncadd.s32 $0xFFFFC000  }
0x14: {  	s13 =	sshll.u32 s1, $0xE;
	s15 =	sshll.u32 s25, $0xD;
	_ =	swait.ge [sflag:s12], $0x4000  }
0x15: {  	s28 =	sadd.s32 $0xBA5200, s14;
	s30 =	sor.u32 s15, s13;
	[sflag:s12] =	ssyncset.done $0x0  }
0x16: {  	s13 =	sadd.s32 s28, s30;
	[sflag:s12] =	ssyncadd.s32 $0xFFFFC000  }
0x17: {  	[hbm4b:s13+s2] =	stream.linear.scatter [tilespmem:s8], [sflag:$0x3], $0x4000, $0x38;
	[tilespmem:$0x8100] =	vst v63  }
0x18: {  	_ =	swait.ge [sflag:s3], $0x4000  }
0x19: {  	s29 =	sadd.s32 $0xBE5200, s14;
	[sflag:s3] =	ssyncset.done $0x0  }
0x1a: {  	s14 =	sadd.s32 s29, s30;
	[sflag:s3] =	ssyncadd.s32 $0xFFFFC000  }
0x1b: {  	[hbm4b:s14+s2] =	stream.linear.scatter [tilespmem:s10], [sflag:$0x3], $0x4000, $0x38;
	[tilespmem:$0x8100] =	vst v63  }
0x1c: {  	_ =	swait.ge [sflag:s3], $0x4000  }
0x1d: {  	s16 =	sor.u32 $0x10, s26;
	[sflag:s3] =	ssyncset.done $0x0  }
0x1e: {  	s15 =	sadd.s32 s23, s16;
	[sflag:s3] =	ssyncadd.s32 $0xFFFFC000  }
0x1f: {  	[tilespmem:s2], [sflag:$0x3] =	stream.linear.gather [hbm4b:s15+s2], $0x80, $0x38;
	[tilespmem:$0x8100] =	vst v63  }
0x20: {  	_ =	swait.ge [sflag:s3], $0x80  }
0x21: {  	[sflag:s3] =	ssyncset.done $0x0  }
0x22: {  	s16 =	sadd.s32 s24, s16;
	[sflag:s3] =	ssyncadd.s32 $0xFFFFFF80  }
0x23: {  	[tilespmem:s6], [sflag:$0x3] =	stream.linear.gather [hbm4b:s16+s2], $0x80, $0x38;
	[tilespmem:$0x8100] =	vst v63  }
0x24: {  	_ =	swait.ge [sflag:s3], $0x80  }
0x25: {  	[sflag:s3] =	ssyncset.done $0x0  }
0x26: {  	[sflag:s3] =	ssyncadd.s32 $0xFFFFFF80  }
0x27: {  	[tilespmem:s8], [sflag:$0x1] =	stream.indirect.gather [hbm4b:s7+s6], $0x80, s2, s6, $0xb8;
	[tilespmem:$0x8100] =	vst v63  }
0x28: {  	_ = 	snop  }
0x29: {  	[tilespmem:s10], [sflag:$0x2] =	stream.indirect.gather [hbm4b:s9+s6], $0x80, s6, s6, $0xb8;
	[tilespmem:$0x8100] =	vst v63  }
0x2a: {  	_ =	swait.ge [sflag:s11], $0x4000  }
0x2b: {  	[sflag:s11] =	ssyncset.done $0x0  }
0x2c: {  	[sflag:s11] =	ssyncadd.s32 $0xFFFFC000  }
0x2d: {  	_ =	swait.ge [sflag:s12], $0x4000  }
0x2e: {  	s18 =	sor.u32 $0x800, s30;
	[sflag:s12] =	ssyncset.done $0x0  }
0x2f: {  	s17 =	sadd.s32 s28, s18;
	[sflag:s12] =	ssyncadd.s32 $0xFFFFC000  }
0x30: {  	[hbm4b:s17+s2] =	stream.linear.scatter [tilespmem:s8], [sflag:$0x3], $0x4000, $0x38;
	[tilespmem:$0x8100] =	vst v63  }
0x31: {  	_ =	swait.ge [sflag:s3], $0x4000  }
0x32: {  	[sflag:s3] =	ssyncset.done $0x0  }
0x33: {  	s18 =	sadd.s32 s29, s18;
	[sflag:s3] =	ssyncadd.s32 $0xFFFFC000  }
0x34: {  	[hbm4b:s18+s2] =	stream.linear.scatter [tilespmem:s10], [sflag:$0x3], $0x4000, $0x38;
	[tilespmem:$0x8100] =	vst v63  }
0x35: {  	_ =	swait.ge [sflag:s3], $0x4000  }
0x36: {  	s20 =	sor.u32 $0x20, s26;
	[sflag:s3] =	ssyncset.done $0x0  }
0x37: {  	s19 =	sadd.s32 s23, s20;
	[sflag:s3] =	ssyncadd.s32 $0xFFFFC000  }
0x38: {  	[tilespmem:s2], [sflag:$0x3] =	stream.linear.gather [hbm4b:s19+s2], $0x80, $0x38;
	[tilespmem:$0x8100] =	vst v63  }
0x39: {  	_ =	swait.ge [sflag:s3], $0x80  }
0x3a: {  	[sflag:s3] =	ssyncset.done $0x0  }
0x3b: {  	s20 =	sadd.s32 s24, s20;
	[sflag:s3] =	ssyncadd.s32 $0xFFFFFF80  }
0x3c: {  	[tilespmem:s6], [sflag:$0x3] =	stream.linear.gather [hbm4b:s20+s2], $0x80, $0x38;
	[tilespmem:$0x8100] =	vst v63  }
0x3d: {  	_ =	swait.ge [sflag:s3], $0x80  }
0x3e: {  	[sflag:s3] =	ssyncset.done $0x0  }
0x3f: {  	[sflag:s3] =	ssyncadd.s32 $0xFFFFFF80  }
0x40: {  	[tilespmem:s8], [sflag:$0x1] =	stream.indirect.gather [hbm4b:s7+s6], $0x80, s2, s6, $0xb8;
	[tilespmem:$0x8100] =	vst v63  }
0x41: {  	_ = 	snop  }
0x42: {  	[tilespmem:s10], [sflag:$0x2] =	stream.indirect.gather [hbm4b:s9+s6], $0x80, s6, s6, $0xb8;
	[tilespmem:$0x8100] =	vst v63  }
0x43: {  	_ =	swait.ge [sflag:s11], $0x4000  }
0x44: {  	[sflag:s11] =	ssyncset.done $0x0  }
0x45: {  	[sflag:s11] =	ssyncadd.s32 $0xFFFFC000  }
0x46: {  	_ =	swait.ge [sflag:s12], $0x4000  }
0x47: {  	s22 =	sor.u32 $0x1000, s30;
	[sflag:s12] =	ssyncset.done $0x0  }
0x48: {  	s21 =	sadd.s32 s28, s22;
	[sflag:s12] =	ssyncadd.s32 $0xFFFFC000  }
0x49: {  	[hbm4b:s21+s2] =	stream.linear.scatter [tilespmem:s8], [sflag:$0x3], $0x4000, $0x38;
	[tilespmem:$0x8100] =	vst v63  }
0x4a: {  	_ =	swait.ge [sflag:s3], $0x4000  }
0x4b: {  	[sflag:s3] =	ssyncset.done $0x0  }
0x4c: {  	s22 =	sadd.s32 s29, s22;
	[sflag:s3] =	ssyncadd.s32 $0xFFFFC000  }
0x4d: {  	[hbm4b:s22+s2] =	stream.linear.scatter [tilespmem:s10], [sflag:$0x3], $0x4000, $0x38;
	[tilespmem:$0x8100] =	vst v63  }
0x4e: {  	_ =	swait.ge [sflag:s3], $0x4000  }
0x4f: {  	s26 =	sor.u32 $0x30, s26;
	[sflag:s3] =	ssyncset.done $0x0  }
0x50: {  	s23 =	sadd.s32 s23, s26;
	[sflag:s3] =	ssyncadd.s32 $0xFFFFC000  }
0x51: {  	[tilespmem:s2], [sflag:$0x3] =	stream.linear.gather [hbm4b:s23+s2], $0x80, $0x38;
	[tilespmem:$0x8100] =	vst v63  }
0x52: {  	_ =	swait.ge [sflag:s3], $0x80  }
0x53: {  	[sflag:s3] =	ssyncset.done $0x0  }
0x54: {  	s24 =	sadd.s32 s24, s26;
	[sflag:s3] =	ssyncadd.s32 $0xFFFFFF80  }
0x55: {  	[tilespmem:s6], [sflag:$0x3] =	stream.linear.gather [hbm4b:s24+s2], $0x80, $0x38;
	[tilespmem:$0x8100] =	vst v63  }
0x56: {  	_ =	swait.ge [sflag:s3], $0x80  }
0x57: {  	[sflag:s3] =	ssyncset.done $0x0  }
0x58: {  	[sflag:s3] =	ssyncadd.s32 $0xFFFFFF80  }
0x59: {  	[tilespmem:s8], [sflag:$0x1] =	stream.indirect.gather [hbm4b:s7+s6], $0x80, s2, s6, $0xb8;
	[tilespmem:$0x8100] =	vst v63  }
0x5a: {  	_ = 	snop  }
0x5b: {  	[tilespmem:s10], [sflag:$0x2] =	stream.indirect.gather [hbm4b:s9+s6], $0x80, s6, s6, $0xb8;
	[tilespmem:$0x8100] =	vst v63  }
0x5c: {  	_ =	swait.ge [sflag:s11], $0x4000  }
0x5d: {  	[sflag:s11] =	ssyncset.done $0x0  }
0x5e: {  	s31 =	ssub.s32 $0x2, s25;
	s26 =	sor.u32 $0x1800, s30;
	[sflag:s11] =	ssyncadd.s32 $0xFFFFC000  }
0x5f: {  	s25 =	sadd.s32 s28, s26;
	s28 =	sshrl.u32 s31, $0x1;
	_ =	swait.ge [sflag:s12], $0x4000  }
0x60: {  	s28 =	ssub.s32 s31, s28;
	[sflag:s12] =	ssyncset.done $0x0  }
0x61: {  	s28 =	smax.u32 s28, $0x1;
	[sflag:s12] =	ssyncadd.s32 $0xFFFFC000  }
0x62: {  	[hbm4b:s25+s2] =	stream.linear.scatter [tilespmem:s8], [sflag:$0x3], $0x4000, $0x38;
	[tilespmem:$0x8100] =	vst v63  }
0x63: {  	p0 =	sne.s32 s28, $0x1;
	_ =	swait.ge [sflag:s3], $0x4000  }
.Ltmp0:
0x64: {  	[sflag:s3] =	ssyncset.done $0x0;
	(pc) =	sbr.rel @!p0 .LBB2_2-.Ltmp0, $4  }
0x65: {  	s26 =	sadd.s32 s29, s26;
	[sflag:s3] =	ssyncadd.s32 $0xFFFFC000  }
0x66: {  	[hbm4b:s26+s2] =	stream.linear.scatter [tilespmem:s10], [sflag:$0x3], $0x4000, $0x38;
	[tilespmem:$0x8100] =	vst v63  }
0x67: {  	_ =	swait.ge [sflag:s3], $0x4000  }
0x68: {  	s28 =	sadd.s32 $0xFFFFFFFF, s28;
	[sflag:s3] =	ssyncset.done $0x0  }
.LBB2_1:
0x69: {  	p0 =	sne.s32 s28, $0x1;
	s28 =	sadd.s32 $0xFFFFFFFF, s28;
	[sflag:s3] =	ssyncadd.s32 $0xFFFFC000  }
0x6a: {  	[tilespmem:s2], [sflag:$0x3] =	stream.linear.gather [hbm4b:s4+s2], $0x80, $0x38;
	[tilespmem:$0x8100] =	vst v63  }
0x6b: {  	_ =	swait.ge [sflag:s3], $0x80  }
0x6c: {  	[sflag:s3] =	ssyncset.done $0x0  }
0x6d: {  	[sflag:s3] =	ssyncadd.s32 $0xFFFFFF80  }
0x6e: {  	[tilespmem:s6], [sflag:$0x3] =	stream.linear.gather [hbm4b:s5+s2], $0x80, $0x38;
	[tilespmem:$0x8100] =	vst v63  }
0x6f: {  	_ =	swait.ge [sflag:s3], $0x80  }
0x70: {  	[sflag:s3] =	ssyncset.done $0x0  }
0x71: {  	[sflag:s3] =	ssyncadd.s32 $0xFFFFFF80  }
0x72: {  	[tilespmem:s8], [sflag:$0x1] =	stream.indirect.gather [hbm4b:s7+s6], $0x80, s2, s6, $0xb8;
	[tilespmem:$0x8100] =	vst v63  }
0x73: {  	_ = 	snop  }
0x74: {  	[tilespmem:s10], [sflag:$0x2] =	stream.indirect.gather [hbm4b:s9+s6], $0x80, s6, s6, $0xb8;
	[tilespmem:$0x8100] =	vst v63  }
0x75: {  	_ =	swait.ge [sflag:s11], $0x4000  }
0x76: {  	[sflag:s11] =	ssyncset.done $0x0  }
0x77: {  	[sflag:s11] =	ssyncadd.s32 $0xFFFFC000  }
0x78: {  	_ =	swait.ge [sflag:s12], $0x4000  }
0x79: {  	[sflag:s12] =	ssyncset.done $0x0  }
0x7a: {  	[sflag:s12] =	ssyncadd.s32 $0xFFFFC000  }
0x7b: {  	[hbm4b:s13+s2] =	stream.linear.scatter [tilespmem:s8], [sflag:$0x3], $0x4000, $0x38;
	[tilespmem:$0x8100] =	vst v63  }
0x7c: {  	_ =	swait.ge [sflag:s3], $0x4000  }
0x7d: {  	[sflag:s3] =	ssyncset.done $0x0  }
0x7e: {  	[sflag:s3] =	ssyncadd.s32 $0xFFFFC000  }
0x7f: {  	[hbm4b:s14+s2] =	stream.linear.scatter [tilespmem:s10], [sflag:$0x3], $0x4000, $0x38;
	[tilespmem:$0x8100] =	vst v63  }
0x80: {  	_ =	swait.ge [sflag:s3], $0x4000  }
0x81: {  	[sflag:s3] =	ssyncset.done $0x0  }
0x82: {  	[sflag:s3] =	ssyncadd.s32 $0xFFFFC000  }
0x83: {  	[tilespmem:s2], [sflag:$0x3] =	stream.linear.gather [hbm4b:s15+s2], $0x80, $0x38;
	[tilespmem:$0x8100] =	vst v63  }
0x84: {  	_ =	swait.ge [sflag:s3], $0x80  }
0x85: {  	[sflag:s3] =	ssyncset.done $0x0  }
0x86: {  	[sflag:s3] =	ssyncadd.s32 $0xFFFFFF80  }
0x87: {  	[tilespmem:s6], [sflag:$0x3] =	stream.linear.gather [hbm4b:s16+s2], $0x80, $0x38;
	[tilespmem:$0x8100] =	vst v63  }
0x88: {  	_ =	swait.ge [sflag:s3], $0x80  }
0x89: {  	[sflag:s3] =	ssyncset.done $0x0  }
0x8a: {  	[sflag:s3] =	ssyncadd.s32 $0xFFFFFF80  }
0x8b: {  	[tilespmem:s8], [sflag:$0x1] =	stream.indirect.gather [hbm4b:s7+s6], $0x80, s2, s6, $0xb8;
	[tilespmem:$0x8100] =	vst v63  }
0x8c: {  	_ = 	snop  }
0x8d: {  	[tilespmem:s10], [sflag:$0x2] =	stream.indirect.gather [hbm4b:s9+s6], $0x80, s6, s6, $0xb8;
	[tilespmem:$0x8100] =	vst v63  }
0x8e: {  	_ =	swait.ge [sflag:s11], $0x4000  }
0x8f: {  	[sflag:s11] =	ssyncset.done $0x0  }
0x90: {  	[sflag:s11] =	ssyncadd.s32 $0xFFFFC000  }
0x91: {  	_ =	swait.ge [sflag:s12], $0x4000  }
0x92: {  	[sflag:s12] =	ssyncset.done $0x0  }
0x93: {  	[sflag:s12] =	ssyncadd.s32 $0xFFFFC000  }
0x94: {  	[hbm4b:s17+s2] =	stream.linear.scatter [tilespmem:s8], [sflag:$0x3], $0x4000, $0x38;
	[tilespmem:$0x8100] =	vst v63  }
0x95: {  	_ =	swait.ge [sflag:s3], $0x4000  }
0x96: {  	[sflag:s3] =	ssyncset.done $0x0  }
0x97: {  	[sflag:s3] =	ssyncadd.s32 $0xFFFFC000  }
0x98: {  	[hbm4b:s18+s2] =	stream.linear.scatter [tilespmem:s10], [sflag:$0x3], $0x4000, $0x38;
	[tilespmem:$0x8100] =	vst v63  }
0x99: {  	_ =	swait.ge [sflag:s3], $0x4000  }
0x9a: {  	[sflag:s3] =	ssyncset.done $0x0  }
0x9b: {  	[sflag:s3] =	ssyncadd.s32 $0xFFFFC000  }
0x9c: {  	[tilespmem:s2], [sflag:$0x3] =	stream.linear.gather [hbm4b:s19+s2], $0x80, $0x38;
	[tilespmem:$0x8100] =	vst v63  }
0x9d: {  	_ =	swait.ge [sflag:s3], $0x80  }
0x9e: {  	[sflag:s3] =	ssyncset.done $0x0  }
0x9f: {  	[sflag:s3] =	ssyncadd.s32 $0xFFFFFF80  }
0xa0: {  	[tilespmem:s6], [sflag:$0x3] =	stream.linear.gather [hbm4b:s20+s2], $0x80, $0x38;
	[tilespmem:$0x8100] =	vst v63  }
0xa1: {  	_ =	swait.ge [sflag:s3], $0x80  }
0xa2: {  	[sflag:s3] =	ssyncset.done $0x0  }
0xa3: {  	[sflag:s3] =	ssyncadd.s32 $0xFFFFFF80  }
0xa4: {  	[tilespmem:s8], [sflag:$0x1] =	stream.indirect.gather [hbm4b:s7+s6], $0x80, s2, s6, $0xb8;
	[tilespmem:$0x8100] =	vst v63  }
0xa5: {  	_ = 	snop  }
0xa6: {  	[tilespmem:s10], [sflag:$0x2] =	stream.indirect.gather [hbm4b:s9+s6], $0x80, s6, s6, $0xb8;
	[tilespmem:$0x8100] =	vst v63  }
0xa7: {  	_ =	swait.ge [sflag:s11], $0x4000  }
0xa8: {  	[sflag:s11] =	ssyncset.done $0x0  }
0xa9: {  	[sflag:s11] =	ssyncadd.s32 $0xFFFFC000  }
0xaa: {  	_ =	swait.ge [sflag:s12], $0x4000  }
0xab: {  	[sflag:s12] =	ssyncset.done $0x0  }
0xac: {  	[sflag:s12] =	ssyncadd.s32 $0xFFFFC000  }
0xad: {  	[hbm4b:s21+s2] =	stream.linear.scatter [tilespmem:s8], [sflag:$0x3], $0x4000, $0x38;
	[tilespmem:$0x8100] =	vst v63  }
0xae: {  	_ =	swait.ge [sflag:s3], $0x4000  }
0xaf: {  	[sflag:s3] =	ssyncset.done $0x0  }
0xb0: {  	[sflag:s3] =	ssyncadd.s32 $0xFFFFC000  }
0xb1: {  	[hbm4b:s22+s2] =	stream.linear.scatter [tilespmem:s10], [sflag:$0x3], $0x4000, $0x38;
	[tilespmem:$0x8100] =	vst v63  }
0xb2: {  	_ =	swait.ge [sflag:s3], $0x4000  }
0xb3: {  	[sflag:s3] =	ssyncset.done $0x0  }
0xb4: {  	[sflag:s3] =	ssyncadd.s32 $0xFFFFC000  }
0xb5: {  	[tilespmem:s2], [sflag:$0x3] =	stream.linear.gather [hbm4b:s23+s2], $0x80, $0x38;
	[tilespmem:$0x8100] =	vst v63  }
0xb6: {  	_ =	swait.ge [sflag:s3], $0x80  }
0xb7: {  	[sflag:s3] =	ssyncset.done $0x0  }
0xb8: {  	[sflag:s3] =	ssyncadd.s32 $0xFFFFFF80  }
0xb9: {  	[tilespmem:s6], [sflag:$0x3] =	stream.linear.gather [hbm4b:s24+s2], $0x80, $0x38;
	[tilespmem:$0x8100] =	vst v63  }
0xba: {  	_ =	swait.ge [sflag:s3], $0x80  }
0xbb: {  	[sflag:s3] =	ssyncset.done $0x0  }
0xbc: {  	[sflag:s3] =	ssyncadd.s32 $0xFFFFFF80  }
0xbd: {  	[tilespmem:s8], [sflag:$0x1] =	stream.indirect.gather [hbm4b:s7+s6], $0x80, s2, s6, $0xb8;
	[tilespmem:$0x8100] =	vst v63  }
0xbe: {  	_ = 	snop  }
0xbf: {  	[tilespmem:s10], [sflag:$0x2] =	stream.indirect.gather [hbm4b:s9+s6], $0x80, s6, s6, $0xb8;
	[tilespmem:$0x8100] =	vst v63  }
0xc0: {  	_ =	swait.ge [sflag:s11], $0x4000  }
0xc1: {  	[sflag:s11] =	ssyncset.done $0x0  }
0xc2: {  	[sflag:s11] =	ssyncadd.s32 $0xFFFFC000  }
0xc3: {  	_ =	swait.ge [sflag:s12], $0x4000  }
0xc4: {  	[sflag:s12] =	ssyncset.done $0x0  }
0xc5: {  	[sflag:s12] =	ssyncadd.s32 $0xFFFFC000  }
0xc6: {  	[hbm4b:s25+s2] =	stream.linear.scatter [tilespmem:s8], [sflag:$0x3], $0x4000, $0x38;
	[tilespmem:$0x8100] =	vst v63  }
0xc7: {  	_ =	swait.ge [sflag:s3], $0x4000  }
.Ltmp1:
0xc8: {  	[sflag:s3] =	ssyncset.done $0x0;
	(pc) =	sbr.rel @p0 .LBB2_1-.Ltmp1, $4  }
0xc9: {  	[sflag:s3] =	ssyncadd.s32 $0xFFFFC000  }
0xca: {  	[hbm4b:s26+s2] =	stream.linear.scatter [tilespmem:s10], [sflag:$0x3], $0x4000, $0x38;
	[tilespmem:$0x8100] =	vst v63  }
0xcb: {  	_ =	swait.ge [sflag:s3], $0x4000  }
0xcc: {  	[sflag:s3] =	ssyncset.done $0x0  }
.LBB2_2:
0xcd: {  	[sflag:s3] =	ssyncadd.s32 $0xFFFFC000  }
0xce: {  	_ =	sfence.sel $0x180000  }
0xcf: {  	[bflag:$0x0] =	sbarrier.arrive $0xFFFF  }
0xd0: {  	p0 =	sne.s32 s1, $0x0;
	_ =	strace $0x9000004A  }
0xd1: {  	s0 =	sadd.s32 @!p0 $0x100000, s0;
	[bflag:$0x2] =	sbarrier.arrive $0xFFFF  }
0xd2: {  	[sflag:s0] =	ssyncadd.tile.s32 @!p0 $0x1;
	_ =	shalt  }
.Lfunc_end2:
_tile_overlayer_lowered:
.L_overlay_start_2:
0xd3: {  	(tag) =	ssettag $0x2  }
0xd4: {  	s0 =	rddreg [dreg:$0x0];
	s2 =	stileid.u32  }
0xd5: {  	s1 =	rddreg [dreg:$0x1];
	p0 =	sne.s32 s2, $0x0  }
0xd6: {  	s3 =	rddreg [dreg:$0x2];
	[bflag:$0x3] =	sbarrier.arrive $0xFFFF;
	s2 =	simm.s32 @!p0 $0x1C03  }
0xd7: {  	[timem:s3], [sflag:s2] =	dma.local @!p0 [hbm:s0], s1  }
0xd8: {  	s0 =	simm.s32 @!p0 $0x3  }
0xd9: {  	_ =	swait.ge @!p0 [sflag:s0], s1  }
0xda: {  	s1 =	ssub.s32 @!p0 $0x0, s1;
	[sflag:s0] =	ssyncset.done @!p0 $0x0  }
0xdb: {  	[sflag:s0] =	ssyncadd.s32 @!p0 s1  }
0xdc: {  	[bflag:$0x3] =	sbarrier.arrive $0xFFFF  }
0xdd: {  	_ =	shalt  }

</sc_bundles>
